<compile_context>
chip_gen: v7x
topology: tpu7x:2x2x1
jax: 0.10.2.dev20260603
libtpu: 0.0.44.dev20260713+nightly
codegen_flags: <defaults>
</compile_context>

<pallas_src>
import functools

import jax
import jax.numpy as jnp
from jax import lax
from jax.experimental import pallas as pl
from jax.experimental.pallas import tpu as pltpu
from jax.experimental.pallas import tpu_sc as plsc

VOCAB = 36000
HIDDEN = 2048
BATCH = 4
SEQ = 2048

NC = 2
NS = 16
NW = NC * NS

B = BATCH * SEQ
B_PER_W = B // NW
C = 16
NCHUNK = B_PER_W // C
NBUF = 3


def _gather_sc(ids3, table):
    mesh = plsc.VectorSubcoreMesh(core_axis_name="c", subcore_axis_name="s")

    @functools.partial(
        pl.kernel,
        mesh=mesh,
        out_type=jax.ShapeDtypeStruct((B, HIDDEN), jnp.float32),
        scratch_types=(
            [pltpu.VMEM((B_PER_W,), jnp.int32),
             pltpu.VMEM((NBUF, C, HIDDEN), jnp.float32)]
            + [pltpu.SemaphoreType.DMA] * (2 * NBUF)
        ),
    )
    def k(ids_hbm, table_hbm, out_hbm, idx_v, rows_v, *sems):
        gsems = sems[:NBUF]
        osems = sems[NBUF:]
        wid = lax.axis_index("s") * NC + lax.axis_index("c")
        base = wid * B_PER_W
        pltpu.sync_copy(ids_hbm.at[wid], idx_v)

        gathers = [None] * NCHUNK
        outs = [None] * NCHUNK
        gathers[0] = pltpu.async_copy(
            table_hbm.at[idx_v.at[pl.ds(0, C)]], rows_v.at[0], gsems[0])
        for c in range(NCHUNK):
            slot = c % NBUF
            nxt = c + 1
            if nxt < NCHUNK:
                if nxt >= NBUF:
                    outs[nxt - NBUF].wait()
                gathers[nxt] = pltpu.async_copy(
                    table_hbm.at[idx_v.at[pl.ds(nxt * C, C)]],
                    rows_v.at[nxt % NBUF], gsems[nxt % NBUF])
            gathers[c].wait()
            outs[c] = pltpu.async_copy(
                rows_v.at[slot], out_hbm.at[pl.ds(base + c * C, C)], osems[slot])
        for c in range(max(0, NCHUNK - NBUF), NCHUNK):
            outs[c].wait()

    return k(ids3, table)


def _mask_parts_body(attn_ref, causal_ref, keep_ref):
    i = lax.broadcasted_iota(jnp.int32, (SEQ, SEQ), 0)
    j = lax.broadcasted_iota(jnp.int32, (SEQ, SEQ), 1)
    causal_ref[...] = (j <= i).astype(jnp.int8)
    keep_ref[...] = (attn_ref[...] != 0).astype(jnp.int8)


def _mask_parts_tc(attention_mask):
    return pl.pallas_call(
        _mask_parts_body,
        out_shape=(
            jax.ShapeDtypeStruct((SEQ, SEQ), jnp.int8),
            jax.ShapeDtypeStruct((BATCH, SEQ), jnp.int8),
        ),
    )(attention_mask)


def kernel(input_ids, attention_mask, embed_weight):
    ids3 = input_ids.astype(jnp.int32).reshape(NW, B_PER_W)
    embeds = _gather_sc(ids3, embed_weight).reshape(BATCH, SEQ, HIDDEN)
    causal8, keep8 = _mask_parts_tc(attention_mask)
    mask = (causal8[None, None] & keep8[:, None, None, :]) != 0
    return embeds, mask

# --- scband reference (transcript-rebuilt; emitter-appended) ---
"""Pipeline reference for scband-llama-embeddings-base-20890720927777 (READ-ONLY COPY).

The authoritative reference and input builder live on the scoring server;
editing this copy changes nothing except your own understanding.
"""

import jax, jax.numpy as jnp
import numpy as np

VOCAB = 36000
HIDDEN = 2048
BATCH = 4
SEQ = 2048


def setup_inputs(seed: int = 0) -> dict:
    key = jax.random.key(seed)
    k_ids, k_w = jax.random.split(key)
    input_ids = jax.random.randint(k_ids, (BATCH, SEQ), 0, VOCAB, dtype=jnp.int64 if jax.config.jax_enable_x64 else jnp.int32)
    attention_mask = jnp.ones((BATCH, SEQ), dtype=jnp.int32)
    embed_weight = jax.random.normal(k_w, (VOCAB, HIDDEN), dtype=jnp.float32) * 0.02
    return {"input_ids": input_ids, "attention_mask": attention_mask, "embed_weight": embed_weight}


def _make_causal_mask(bsz, tgt_len, past_key_values_length=0):
    # torch: mask_cond < (mask_cond + 1).view(-1, 1)  -> j <= i (lower-triangular True)
    mask_cond = jnp.arange(tgt_len)
    mask = mask_cond[None, :] < (mask_cond + 1)[:, None]
    if past_key_values_length > 0:
        mask = jnp.concatenate([jnp.ones((tgt_len, past_key_values_length), dtype=bool), mask], axis=-1)
    return jnp.broadcast_to(mask[None, None, :, :], (bsz, 1, tgt_len, tgt_len + past_key_values_length))


def _expand_mask(mask, tgt_len=None):
    bsz, src_len = mask.shape
    tgt_len = tgt_len if tgt_len is not None else src_len
    expanded = jnp.broadcast_to(mask[:, None, None, :], (bsz, 1, tgt_len, src_len))
    return expanded.astype(bool)


def reference(input_ids, attention_mask, embed_weight):
    # embedding lookup (nn.Embedding forward; padding_idx only affects grads)
    inputs_embeds = jnp.take(embed_weight, input_ids, axis=0)
    bsz, tgt_len = input_ids.shape
    # _prepare_decoder_attention_mask with past_key_values_length=0
    combined = None
    if tgt_len > 1:
        combined = _make_causal_mask(bsz, tgt_len, 0)
    expanded = _expand_mask(attention_mask, tgt_len=tgt_len)
    combined = expanded if combined is None else (expanded & combined)
    return inputs_embeds, combined


if False:  # reference __main__ guard neutralized (emitter)
    inp = setup_inputs()
    out = reference(**inp)
    print(out[0].shape, out[0].dtype, out[1].shape, out[1].dtype)

if __name__ == "__main__":
    import jax
    _d = setup_inputs()
    print(jax.jit(kernel)(*tuple(_d.values())))

</pallas_src>

<mosaic_0001>
#map = affine_map<(d0, d1) -> (0, 0)>
module attributes {stable_mosaic.version = 14 : i64} {
  func.func @k(%arg0: i32, %arg1: i32, %arg2: memref<32x256xi32, #tpu.memory_space<hbm>>, %arg3: memref<36000x2048xf32, #tpu.memory_space<hbm>>, %arg4: memref<8192x2048xf32, #tpu.memory_space<hbm>>, %arg5: memref<256xi32, #tpu.memory_space<vmem>>, %arg6: memref<3x16x2048xf32, #tpu.memory_space<vmem>>, %arg7: memref<!tpu.dma_semaphore, #tpu.memory_space<semaphore_mem>>, %arg8: memref<!tpu.dma_semaphore, #tpu.memory_space<semaphore_mem>>, %arg9: memref<!tpu.dma_semaphore, #tpu.memory_space<semaphore_mem>>, %arg10: memref<!tpu.dma_semaphore, #tpu.memory_space<semaphore_mem>>, %arg11: memref<!tpu.dma_semaphore, #tpu.memory_space<semaphore_mem>>, %arg12: memref<!tpu.dma_semaphore, #tpu.memory_space<semaphore_mem>>) attributes {dimension_semantics = [#tpu.dimension_semantics<core_parallel>, #tpu.dimension_semantics<subcore_parallel>], iteration_bounds = array<i64: 2, 16>, scalar_prefetch = 0 : i64, scratch_operands = 8 : i64, tpu.core_type = #tpu.core_type<sc_vector_subcore>, window_params = [{transform_indices = #map}, {transform_indices = #map}, {transform_indices = #map}]} {
    %mul3A = arith.constant 2 : i32
    %mul3A_0 = arith.muli %arg1, %mul3A : i32
    %add3A = arith.addi %mul3A_0, %arg0 : i32
    %mul3A_1 = arith.constant 256 : i32
    %mul3A_2 = arith.muli %add3A, %mul3A_1 : i32
    "tpu.region"() ({
      %run_scoped3A = tpu.sem_alloc : memref<!tpu.dma_semaphore, #tpu.memory_space<semaphore_mem>>
      %dma_start3A_769 = arith.constant 0 : i32
      %dma_start3A_770 = tpu.memref_slice %arg2[%add3A, %dma_start3A_769] : memref<32x256xi32, #tpu.memory_space<hbm>> -> memref<1x256xi32, #tpu.memory_space<hbm>>
      %dma_start3A_771 = tpu.memref_squeeze %dma_start3A_770 : memref<1x256xi32, #tpu.memory_space<hbm>> -> memref<256xi32, #tpu.memory_space<hbm>>
      %dma_start3A_772 = arith.constant 0 : i32
      %dma_start3A_773 = tpu.memref_slice %arg2[%add3A, %dma_start3A_772] : memref<32x256xi32, #tpu.memory_space<hbm>> -> memref<1x256xi32, #tpu.memory_space<hbm>>
      %dma_start3A_774 = tpu.memref_squeeze %dma_start3A_773 : memref<1x256xi32, #tpu.memory_space<hbm>> -> memref<256xi32, #tpu.memory_space<hbm>>
      tpu.enqueue_dma source(%dma_start3A_774 : memref<256xi32, #tpu.memory_space<hbm>>) target(%arg5 : memref<256xi32, #tpu.memory_space<vmem>>) target_semaphore(%run_scoped3A : memref<!tpu.dma_semaphore, #tpu.memory_space<semaphore_mem>>)
      %dma_wait3A_775 = arith.constant 0 : i32
      %dma_wait3A_776 = tpu.memref_slice %arg2[%add3A, %dma_wait3A_775] : memref<32x256xi32, #tpu.memory_space<hbm>> -> memref<1x256xi32, #tpu.memory_space<hbm>>
      %dma_wait3A_777 = tpu.memref_squeeze %dma_wait3A_776 : memref<1x256xi32, #tpu.memory_space<hbm>> -> memref<256xi32, #tpu.memory_space<hbm>>
      %dma_wait3A_778 = arith.constant 0 : i32
      %dma_wait3A_779 = tpu.memref_slice %arg2[%add3A, %dma_wait3A_778] : memref<32x256xi32, #tpu.memory_space<hbm>> -> memref<1x256xi32, #tpu.memory_space<hbm>>
      %dma_wait3A_780 = tpu.memref_squeeze %dma_wait3A_779 : memref<1x256xi32, #tpu.memory_space<hbm>> -> memref<256xi32, #tpu.memory_space<hbm>>
      tpu.wait_dma2 semaphore(%run_scoped3A : memref<!tpu.dma_semaphore, #tpu.memory_space<semaphore_mem>>) src(%dma_wait3A_780 : memref<256xi32, #tpu.memory_space<hbm>>) dst(%arg5 : memref<256xi32, #tpu.memory_space<vmem>>)
      tpu.yield
    }) : () -> ()
    %dma_start3A = arith.constant 0 : i32
    %dma_start3A_3 = arith.constant 0 : i32
    %dma_start3A_4 = arith.constant 0 : i32
    %dma_start3A_5 = tpu.memref_slice %arg6[%dma_start3A, %dma_start3A_3, %dma_start3A_4] : memref<3x16x2048xf32, #tpu.memory_space<vmem>> -> memref<1x16x2048xf32, #tpu.memory_space<vmem>>
    %dma_start3A_6 = tpu.memref_squeeze %dma_start3A_5 : memref<1x16x2048xf32, #tpu.memory_space<vmem>> -> memref<16x2048xf32, #tpu.memory_space<vmem>>
    %dma_start3A_7 = arith.constant 0 : i32
    %dma_start3A_8 = tpu.memref_slice %arg5[%dma_start3A_7] : memref<256xi32, #tpu.memory_space<vmem>> -> memref<16xi32, #tpu.memory_space<vmem>>
    %dma_start3A_9 = arith.constant 0 : i32
    %dma_start3A_10 = arith.constant 0 : i32
    %dma_start3A_11 = tpu.memref_slice %arg3[%dma_start3A_9, %dma_start3A_10] : memref<36000x2048xf32, #tpu.memory_space<hbm>> -> memref<36000x2048xf32, #tpu.memory_space<hbm>>
    tpu.enqueue_indirect_dma source(%dma_start3A_11 : memref<36000x2048xf32, #tpu.memory_space<hbm>>) target(%dma_start3A_6 : memref<16x2048xf32, #tpu.memory_space<vmem>>) offsets(%dma_start3A_8 : memref<16xi32, #tpu.memory_space<vmem>>) semaphore(%arg7 : memref<!tpu.dma_semaphore, #tpu.memory_space<semaphore_mem>>)
    %dma_start3A_12 = arith.constant 1 : i32
    %dma_start3A_13 = arith.constant 0 : i32
    %dma_start3A_14 = arith.constant 0 : i32
    %dma_start3A_15 = tpu.memref_slice %arg6[%dma_start3A_12, %dma_start3A_13, %dma_start3A_14] : memref<3x16x2048xf32, #tpu.memory_space<vmem>> -> memref<1x16x2048xf32, #tpu.memory_space<vmem>>
    %dma_start3A_16 = tpu.memref_squeeze %dma_start3A_15 : memref<1x16x2048xf32, #tpu.memory_space<vmem>> -> memref<16x2048xf32, #tpu.memory_space<vmem>>
    %dma_start3A_17 = arith.constant 16 : i32
    %dma_start3A_18 = tpu.memref_slice %arg5[%dma_start3A_17] : memref<256xi32, #tpu.memory_space<vmem>> -> memref<16xi32, #tpu.memory_space<vmem>>
    %dma_start3A_19 = arith.constant 0 : i32
    %dma_start3A_20 = arith.constant 0 : i32
    %dma_start3A_21 = tpu.memref_slice %arg3[%dma_start3A_19, %dma_start3A_20] : memref<36000x2048xf32, #tpu.memory_space<hbm>> -> memref<36000x2048xf32, #tpu.memory_space<hbm>>
    tpu.enqueue_indirect_dma source(%dma_start3A_21 : memref<36000x2048xf32, #tpu.memory_space<hbm>>) target(%dma_start3A_16 : memref<16x2048xf32, #tpu.memory_space<vmem>>) offsets(%dma_start3A_18 : memref<16xi32, #tpu.memory_space<vmem>>) semaphore(%arg8 : memref<!tpu.dma_semaphore, #tpu.memory_space<semaphore_mem>>)
    %dma_wait3A = arith.constant 0 : i32
    %dma_wait3A_22 = arith.constant 0 : i32
    %dma_wait3A_23 = arith.constant 0 : i32
    %dma_wait3A_24 = tpu.memref_slice %arg6[%dma_wait3A, %dma_wait3A_22, %dma_wait3A_23] : memref<3x16x2048xf32, #tpu.memory_space<vmem>> -> memref<1x16x2048xf32, #tpu.memory_space<vmem>>
    %dma_wait3A_25 = tpu.memref_squeeze %dma_wait3A_24 : memref<1x16x2048xf32, #tpu.memory_space<vmem>> -> memref<16x2048xf32, #tpu.memory_space<vmem>>
    %dma_wait3A_26 = arith.constant 0 : i32
    %dma_wait3A_27 = tpu.memref_slice %arg5[%dma_wait3A_26] : memref<256xi32, #tpu.memory_space<vmem>> -> memref<16xi32, #tpu.memory_space<vmem>>
    %dma_wait3A_28 = arith.constant 0 : i32
    %dma_wait3A_29 = arith.constant 0 : i32
    %dma_wait3A_30 = tpu.memref_slice %arg3[%dma_wait3A_28, %dma_wait3A_29] : memref<36000x2048xf32, #tpu.memory_space<hbm>> -> memref<36000x2048xf32, #tpu.memory_space<hbm>>
    tpu.wait_indirect_dma semaphore(%arg7 : memref<!tpu.dma_semaphore, #tpu.memory_space<semaphore_mem>>) src(%dma_wait3A_30 : memref<36000x2048xf32, #tpu.memory_space<hbm>>) dst(%dma_wait3A_25 : memref<16x2048xf32, #tpu.memory_space<vmem>>)
    %add3A_31 = arith.constant 0 : i32
    %add3A_32 = arith.addi %mul3A_2, %add3A_31 : i32
    %dma_start3A_33 = arith.constant 0 : i32
    %dma_start3A_34 = arith.constant 0 : i32
    %dma_start3A_35 = arith.constant 0 : i32
    %dma_start3A_36 = tpu.memref_slice %arg6[%dma_start3A_33, %dma_start3A_34, %dma_start3A_35] : memref<3x16x2048xf32, #tpu.memory_space<vmem>> -> memref<1x16x2048xf32, #tpu.memory_space<vmem>>
    %dma_start3A_37 = tpu.memref_squeeze %dma_start3A_36 : memref<1x16x2048xf32, #tpu.memory_space<vmem>> -> memref<16x2048xf32, #tpu.memory_space<vmem>>
    %dma_start3A_38 = arith.constant 0 : i32
    %dma_start3A_39 = tpu.memref_slice %arg4[%add3A_32, %dma_start3A_38] : memref<8192x2048xf32, #tpu.memory_space<hbm>> -> memref<16x2048xf32, #tpu.memory_space<hbm>>
    %dma_start3A_40 = arith.constant 0 : i32
    %dma_start3A_41 = tpu.memref_slice %arg4[%add3A_32, %dma_start3A_40] : memref<8192x2048xf32, #tpu.memory_space<hbm>> -> memref<16x2048xf32, #tpu.memory_space<hbm>>
    %dma_start3A_42 = arith.constant 0 : i32
    %dma_start3A_43 = arith.constant 0 : i32
    %dma_start3A_44 = tpu.memref_slice %arg6[%dma_start3A_33, %dma_start3A_42, %dma_start3A_43] : memref<3x16x2048xf32, #tpu.memory_space<vmem>> -> memref<1x16x2048xf32, #tpu.memory_space<vmem>>
    %dma_start3A_45 = tpu.memref_squeeze %dma_start3A_44 : memref<1x16x2048xf32, #tpu.memory_space<vmem>> -> memref<16x2048xf32, #tpu.memory_space<vmem>>
    tpu.enqueue_dma source(%dma_start3A_45 : memref<16x2048xf32, #tpu.memory_space<vmem>>) target(%dma_start3A_41 : memref<16x2048xf32, #tpu.memory_space<hbm>>) target_semaphore(%arg10 : memref<!tpu.dma_semaphore, #tpu.memory_space<semaphore_mem>>)
    %dma_start3A_46 = arith.constant 2 : i32
    %dma_start3A_47 = arith.constant 0 : i32
    %dma_start3A_48 = arith.constant 0 : i32
    %dma_start3A_49 = tpu.memref_slice %arg6[%dma_start3A_46, %dma_start3A_47, %dma_start3A_48] : memref<3x16x2048xf32, #tpu.memory_space<vmem>> -> memref<1x16x2048xf32, #tpu.memory_space<vmem>>
    %dma_start3A_50 = tpu.memref_squeeze %dma_start3A_49 : memref<1x16x2048xf32, #tpu.memory_space<vmem>> -> memref<16x2048xf32, #tpu.memory_space<vmem>>
    %dma_start3A_51 = arith.constant 32 : i32
    %dma_start3A_52 = tpu.memref_slice %arg5[%dma_start3A_51] : memref<256xi32, #tpu.memory_space<vmem>> -> memref<16xi32, #tpu.memory_space<vmem>>
    %dma_start3A_53 = arith.constant 0 : i32
    %dma_start3A_54 = arith.constant 0 : i32
    %dma_start3A_55 = tpu.memref_slice %arg3[%dma_start3A_53, %dma_start3A_54] : memref<36000x2048xf32, #tpu.memory_space<hbm>> -> memref<36000x2048xf32, #tpu.memory_space<hbm>>
    tpu.enqueue_indirect_dma source(%dma_start3A_55 : memref<36000x2048xf32, #tpu.memory_space<hbm>>) target(%dma_start3A_50 : memref<16x2048xf32, #tpu.memory_space<vmem>>) offsets(%dma_start3A_52 : memref<16xi32, #tpu.memory_space<vmem>>) semaphore(%arg9 : memref<!tpu.dma_semaphore, #tpu.memory_space<semaphore_mem>>)
    %dma_wait3A_56 = arith.constant 1 : i32
    %dma_wait3A_57 = arith.constant 0 : i32
    %dma_wait3A_58 = arith.constant 0 : i32
    %dma_wait3A_59 = tpu.memref_slice %arg6[%dma_wait3A_56, %dma_wait3A_57, %dma_wait3A_58] : memref<3x16x2048xf32, #tpu.memory_space<vmem>> -> memref<1x16x2048xf32, #tpu.memory_space<vmem>>
    %dma_wait3A_60 = tpu.memref_squeeze %dma_wait3A_59 : memref<1x16x2048xf32, #tpu.memory_space<vmem>> -> memref<16x2048xf32, #tpu.memory_space<vmem>>
    %dma_wait3A_61 = arith.constant 16 : i32
    %dma_wait3A_62 = tpu.memref_slice %arg5[%dma_wait3A_61] : memref<256xi32, #tpu.memory_space<vmem>> -> memref<16xi32, #tpu.memory_space<vmem>>
    %dma_wait3A_63 = arith.constant 0 : i32
    %dma_wait3A_64 = arith.constant 0 : i32
    %dma_wait3A_65 = tpu.memref_slice %arg3[%dma_wait3A_63, %dma_wait3A_64] : memref<36000x2048xf32, #tpu.memory_space<hbm>> -> memref<36000x2048xf32, #tpu.memory_space<hbm>>
    tpu.wait_indirect_dma semaphore(%arg8 : memref<!tpu.dma_semaphore, #tpu.memory_space<semaphore_mem>>) src(%dma_wait3A_65 : memref<36000x2048xf32, #tpu.memory_space<hbm>>) dst(%dma_wait3A_60 : memref<16x2048xf32, #tpu.memory_space<vmem>>)
    %add3A_66 = arith.constant 16 : i32
    %add3A_67 = arith.addi %mul3A_2, %add3A_66 : i32
    %dma_start3A_68 = arith.constant 1 : i32
    %dma_start3A_69 = arith.constant 0 : i32
    %dma_start3A_70 = arith.constant 0 : i32
    %dma_start3A_71 = tpu.memref_slice %arg6[%dma_start3A_68, %dma_start3A_69, %dma_start3A_70] : memref<3x16x2048xf32, #tpu.memory_space<vmem>> -> memref<1x16x2048xf32, #tpu.memory_space<vmem>>
    %dma_start3A_72 = tpu.memref_squeeze %dma_start3A_71 : memref<1x16x2048xf32, #tpu.memory_space<vmem>> -> memref<16x2048xf32, #tpu.memory_space<vmem>>
    %dma_start3A_73 = arith.constant 0 : i32
    %dma_start3A_74 = tpu.memref_slice %arg4[%add3A_67, %dma_start3A_73] : memref<8192x2048xf32, #tpu.memory_space<hbm>> -> memref<16x2048xf32, #tpu.memory_space<hbm>>
    %dma_start3A_75 = arith.constant 0 : i32
    %dma_start3A_76 = tpu.memref_slice %arg4[%add3A_67, %dma_start3A_75] : memref<8192x2048xf32, #tpu.memory_space<hbm>> -> memref<16x2048xf32, #tpu.memory_space<hbm>>
    %dma_start3A_77 = arith.constant 0 : i32
    %dma_start3A_78 = arith.constant 0 : i32
    %dma_start3A_79 = tpu.memref_slice %arg6[%dma_start3A_68, %dma_start3A_77, %dma_start3A_78] : memref<3x16x2048xf32, #tpu.memory_space<vmem>> -> memref<1x16x2048xf32, #tpu.memory_space<vmem>>
    %dma_start3A_80 = tpu.memref_squeeze %dma_start3A_79 : memref<1x16x2048xf32, #tpu.memory_space<vmem>> -> memref<16x2048xf32, #tpu.memory_space<vmem>>
    tpu.enqueue_dma source(%dma_start3A_80 : memref<16x2048xf32, #tpu.memory_space<vmem>>) target(%dma_start3A_76 : memref<16x2048xf32, #tpu.memory_space<hbm>>) target_semaphore(%arg11 : memref<!tpu.dma_semaphore, #tpu.memory_space<semaphore_mem>>)
    %dma_wait3A_81 = arith.constant 0 : i32
    %dma_wait3A_82 = arith.constant 0 : i32
    %dma_wait3A_83 = arith.constant 0 : i32
    %dma_wait3A_84 = tpu.memref_slice %arg6[%dma_wait3A_81, %dma_wait3A_82, %dma_wait3A_83] : memref<3x16x2048xf32, #tpu.memory_space<vmem>> -> memref<1x16x2048xf32, #tpu.memory_space<vmem>>
    %dma_wait3A_85 = tpu.memref_squeeze %dma_wait3A_84 : memref<1x16x2048xf32, #tpu.memory_space<vmem>> -> memref<16x2048xf32, #tpu.memory_space<vmem>>
    %dma_wait3A_86 = arith.constant 0 : i32
    %dma_wait3A_87 = tpu.memref_slice %arg4[%add3A_32, %dma_wait3A_86] : memref<8192x2048xf32, #tpu.memory_space<hbm>> -> memref<16x2048xf32, #tpu.memory_space<hbm>>
    %dma_wait3A_88 = arith.constant 0 : i32
    %dma_wait3A_89 = tpu.memref_slice %arg4[%add3A_32, %dma_wait3A_88] : memref<8192x2048xf32, #tpu.memory_space<hbm>> -> memref<16x2048xf32, #tpu.memory_space<hbm>>
    %dma_wait3A_90 = arith.constant 0 : i32
    %dma_wait3A_91 = arith.constant 0 : i32
    %dma_wait3A_92 = tpu.memref_slice %arg6[%dma_wait3A_81, %dma_wait3A_90, %dma_wait3A_91] : memref<3x16x2048xf32, #tpu.memory_space<vmem>> -> memref<1x16x2048xf32, #tpu.memory_space<vmem>>
    %dma_wait3A_93 = tpu.memref_squeeze %dma_wait3A_92 : memref<1x16x2048xf32, #tpu.memory_space<vmem>> -> memref<16x2048xf32, #tpu.memory_space<vmem>>
    tpu.wait_dma2 semaphore(%arg10 : memref<!tpu.dma_semaphore, #tpu.memory_space<semaphore_mem>>) src(%dma_wait3A_93 : memref<16x2048xf32, #tpu.memory_space<vmem>>) dst(%dma_wait3A_89 : memref<16x2048xf32, #tpu.memory_space<hbm>>)
    %dma_start3A_94 = arith.constant 0 : i32
    %dma_start3A_95 = arith.constant 0 : i32
    %dma_start3A_96 = arith.constant 0 : i32
    %dma_start3A_97 = tpu.memref_slice %arg6[%dma_start3A_94, %dma_start3A_95, %dma_start3A_96] : memref<3x16x2048xf32, #tpu.memory_space<vmem>> -> memref<1x16x2048xf32, #tpu.memory_space<vmem>>
    %dma_start3A_98 = tpu.memref_squeeze %dma_start3A_97 : memref<1x16x2048xf32, #tpu.memory_space<vmem>> -> memref<16x2048xf32, #tpu.memory_space<vmem>>
    %dma_start3A_99 = arith.constant 48 : i32
    %dma_start3A_100 = tpu.memref_slice %arg5[%dma_start3A_99] : memref<256xi32, #tpu.memory_space<vmem>> -> memref<16xi32, #tpu.memory_space<vmem>>
    %dma_start3A_101 = arith.constant 0 : i32
    %dma_start3A_102 = arith.constant 0 : i32
    %dma_start3A_103 = tpu.memref_slice %arg3[%dma_start3A_101, %dma_start3A_102] : memref<36000x2048xf32, #tpu.memory_space<hbm>> -> memref<36000x2048xf32, #tpu.memory_space<hbm>>
    tpu.enqueue_indirect_dma source(%dma_start3A_103 : memref<36000x2048xf32, #tpu.memory_space<hbm>>) target(%dma_start3A_98 : memref<16x2048xf32, #tpu.memory_space<vmem>>) offsets(%dma_start3A_100 : memref<16xi32, #tpu.memory_space<vmem>>) semaphore(%arg7 : memref<!tpu.dma_semaphore, #tpu.memory_space<semaphore_mem>>)
    %dma_wait3A_104 = arith.constant 2 : i32
    %dma_wait3A_105 = arith.constant 0 : i32
    %dma_wait3A_106 = arith.constant 0 : i32
    %dma_wait3A_107 = tpu.memref_slice %arg6[%dma_wait3A_104, %dma_wait3A_105, %dma_wait3A_106] : memref<3x16x2048xf32, #tpu.memory_space<vmem>> -> memref<1x16x2048xf32, #tpu.memory_space<vmem>>
    %dma_wait3A_108 = tpu.memref_squeeze %dma_wait3A_107 : memref<1x16x2048xf32, #tpu.memory_space<vmem>> -> memref<16x2048xf32, #tpu.memory_space<vmem>>
    %dma_wait3A_109 = arith.constant 32 : i32
    %dma_wait3A_110 = tpu.memref_slice %arg5[%dma_wait3A_109] : memref<256xi32, #tpu.memory_space<vmem>> -> memref<16xi32, #tpu.memory_space<vmem>>
    %dma_wait3A_111 = arith.constant 0 : i32
    %dma_wait3A_112 = arith.constant 0 : i32
    %dma_wait3A_113 = tpu.memref_slice %arg3[%dma_wait3A_111, %dma_wait3A_112] : memref<36000x2048xf32, #tpu.memory_space<hbm>> -> memref<36000x2048xf32, #tpu.memory_space<hbm>>
    tpu.wait_indirect_dma semaphore(%arg9 : memref<!tpu.dma_semaphore, #tpu.memory_space<semaphore_mem>>) src(%dma_wait3A_113 : memref<36000x2048xf32, #tpu.memory_space<hbm>>) dst(%dma_wait3A_108 : memref<16x2048xf32, #tpu.memory_space<vmem>>)
    %add3A_114 = arith.constant 32 : i32
    %add3A_115 = arith.addi %mul3A_2, %add3A_114 : i32
    %dma_start3A_116 = arith.constant 2 : i32
    %dma_start3A_117 = arith.constant 0 : i32
    %dma_start3A_118 = arith.constant 0 : i32
    %dma_start3A_119 = tpu.memref_slice %arg6[%dma_start3A_116, %dma_start3A_117, %dma_start3A_118] : memref<3x16x2048xf32, #tpu.memory_space<vmem>> -> memref<1x16x2048xf32, #tpu.memory_space<vmem>>
    %dma_start3A_120 = tpu.memref_squeeze %dma_start3A_119 : memref<1x16x2048xf32, #tpu.memory_space<vmem>> -> memref<16x2048xf32, #tpu.memory_space<vmem>>
    %dma_start3A_121 = arith.constant 0 : i32
    %dma_start3A_122 = tpu.memref_slice %arg4[%add3A_115, %dma_start3A_121] : memref<8192x2048xf32, #tpu.memory_space<hbm>> -> memref<16x2048xf32, #tpu.memory_space<hbm>>
    %dma_start3A_123 = arith.constant 0 : i32
    %dma_start3A_124 = tpu.memref_slice %arg4[%add3A_115, %dma_start3A_123] : memref<8192x2048xf32, #tpu.memory_space<hbm>> -> memref<16x2048xf32, #tpu.memory_space<hbm>>
    %dma_start3A_125 = arith.constant 0 : i32
    %dma_start3A_126 = arith.constant 0 : i32
    %dma_start3A_127 = tpu.memref_slice %arg6[%dma_start3A_116, %dma_start3A_125, %dma_start3A_126] : memref<3x16x2048xf32, #tpu.memory_space<vmem>> -> memref<1x16x2048xf32, #tpu.memory_space<vmem>>
    %dma_start3A_128 = tpu.memref_squeeze %dma_start3A_127 : memref<1x16x2048xf32, #tpu.memory_space<vmem>> -> memref<16x2048xf32, #tpu.memory_space<vmem>>
    tpu.enqueue_dma source(%dma_start3A_128 : memref<16x2048xf32, #tpu.memory_space<vmem>>) target(%dma_start3A_124 : memref<16x2048xf32, #tpu.memory_space<hbm>>) target_semaphore(%arg12 : memref<!tpu.dma_semaphore, #tpu.memory_space<semaphore_mem>>)
    %dma_wait3A_129 = arith.constant 1 : i32
    %dma_wait3A_130 = arith.constant 0 : i32
    %dma_wait3A_131 = arith.constant 0 : i32
    %dma_wait3A_132 = tpu.memref_slice %arg6[%dma_wait3A_129, %dma_wait3A_130, %dma_wait3A_131] : memref<3x16x2048xf32, #tpu.memory_space<vmem>> -> memref<1x16x2048xf32, #tpu.memory_space<vmem>>
    %dma_wait3A_133 = tpu.memref_squeeze %dma_wait3A_132 : memref<1x16x2048xf32, #tpu.memory_space<vmem>> -> memref<16x2048xf32, #tpu.memory_space<vmem>>
    %dma_wait3A_134 = arith.constant 0 : i32
    %dma_wait3A_135 = tpu.memref_slice %arg4[%add3A_67, %dma_wait3A_134] : memref<8192x2048xf32, #tpu.memory_space<hbm>> -> memref<16x2048xf32, #tpu.memory_space<hbm>>
    %dma_wait3A_136 = arith.constant 0 : i32
    %dma_wait3A_137 = tpu.memref_slice %arg4[%add3A_67, %dma_wait3A_136] : memref<8192x2048xf32, #tpu.memory_space<hbm>> -> memref<16x2048xf32, #tpu.memory_space<hbm>>
    %dma_wait3A_138 = arith.constant 0 : i32
    %dma_wait3A_139 = arith.constant 0 : i32
    %dma_wait3A_140 = tpu.memref_slice %arg6[%dma_wait3A_129, %dma_wait3A_138, %dma_wait3A_139] : memref<3x16x2048xf32, #tpu.memory_space<vmem>> -> memref<1x16x2048xf32, #tpu.memory_space<vmem>>
    %dma_wait3A_141 = tpu.memref_squeeze %dma_wait3A_140 : memref<1x16x2048xf32, #tpu.memory_space<vmem>> -> memref<16x2048xf32, #tpu.memory_space<vmem>>
    tpu.wait_dma2 semaphore(%arg11 : memref<!tpu.dma_semaphore, #tpu.memory_space<semaphore_mem>>) src(%dma_wait3A_141 : memref<16x2048xf32, #tpu.memory_space<vmem>>) dst(%dma_wait3A_137 : memref<16x2048xf32, #tpu.memory_space<hbm>>)
    %dma_start3A_142 = arith.constant 1 : i32
    %dma_start3A_143 = arith.constant 0 : i32
    %dma_start3A_144 = arith.constant 0 : i32
    %dma_start3A_145 = tpu.memref_slice %arg6[%dma_start3A_142, %dma_start3A_143, %dma_start3A_144] : memref<3x16x2048xf32, #tpu.memory_space<vmem>> -> memref<1x16x2048xf32, #tpu.memory_space<vmem>>
    %dma_start3A_146 = tpu.memref_squeeze %dma_start3A_145 : memref<1x16x2048xf32, #tpu.memory_space<vmem>> -> memref<16x2048xf32, #tpu.memory_space<vmem>>
    %dma_start3A_147 = arith.constant 64 : i32
    %dma_start3A_148 = tpu.memref_slice %arg5[%dma_start3A_147] : memref<256xi32, #tpu.memory_space<vmem>> -> memref<16xi32, #tpu.memory_space<vmem>>
    %dma_start3A_149 = arith.constant 0 : i32
    %dma_start3A_150 = arith.constant 0 : i32
    %dma_start3A_151 = tpu.memref_slice %arg3[%dma_start3A_149, %dma_start3A_150] : memref<36000x2048xf32, #tpu.memory_space<hbm>> -> memref<36000x2048xf32, #tpu.memory_space<hbm>>
    tpu.enqueue_indirect_dma source(%dma_start3A_151 : memref<36000x2048xf32, #tpu.memory_space<hbm>>) target(%dma_start3A_146 : memref<16x2048xf32, #tpu.memory_space<vmem>>) offsets(%dma_start3A_148 : memref<16xi32, #tpu.memory_space<vmem>>) semaphore(%arg8 : memref<!tpu.dma_semaphore, #tpu.memory_space<semaphore_mem>>)
    %dma_wait3A_152 = arith.constant 0 : i32
    %dma_wait3A_153 = arith.constant 0 : i32
    %dma_wait3A_154 = arith.constant 0 : i32
    %dma_wait3A_155 = tpu.memref_slice %arg6[%dma_wait3A_152, %dma_wait3A_153, %dma_wait3A_154] : memref<3x16x2048xf32, #tpu.memory_space<vmem>> -> memref<1x16x2048xf32, #tpu.memory_space<vmem>>
    %dma_wait3A_156 = tpu.memref_squeeze %dma_wait3A_155 : memref<1x16x2048xf32, #tpu.memory_space<vmem>> -> memref<16x2048xf32, #tpu.memory_space<vmem>>
    %dma_wait3A_157 = arith.constant 48 : i32
    %dma_wait3A_158 = tpu.memref_slice %arg5[%dma_wait3A_157] : memref<256xi32, #tpu.memory_space<vmem>> -> memref<16xi32, #tpu.memory_space<vmem>>
    %dma_wait3A_159 = arith.constant 0 : i32
    %dma_wait3A_160 = arith.constant 0 : i32
    %dma_wait3A_161 = tpu.memref_slice %arg3[%dma_wait3A_159, %dma_wait3A_160] : memref<36000x2048xf32, #tpu.memory_space<hbm>> -> memref<36000x2048xf32, #tpu.memory_space<hbm>>
    tpu.wait_indirect_dma semaphore(%arg7 : memref<!tpu.dma_semaphore, #tpu.memory_space<semaphore_mem>>) src(%dma_wait3A_161 : memref<36000x2048xf32, #tpu.memory_space<hbm>>) dst(%dma_wait3A_156 : memref<16x2048xf32, #tpu.memory_space<vmem>>)
    %add3A_162 = arith.constant 48 : i32
    %add3A_163 = arith.addi %mul3A_2, %add3A_162 : i32
    %dma_start3A_164 = arith.constant 0 : i32
    %dma_start3A_165 = arith.constant 0 : i32
    %dma_start3A_166 = arith.constant 0 : i32
    %dma_start3A_167 = tpu.memref_slice %arg6[%dma_start3A_164, %dma_start3A_165, %dma_start3A_166] : memref<3x16x2048xf32, #tpu.memory_space<vmem>> -> memref<1x16x2048xf32, #tpu.memory_space<vmem>>
    %dma_start3A_168 = tpu.memref_squeeze %dma_start3A_167 : memref<1x16x2048xf32, #tpu.memory_space<vmem>> -> memref<16x2048xf32, #tpu.memory_space<vmem>>
    %dma_start3A_169 = arith.constant 0 : i32
    %dma_start3A_170 = tpu.memref_slice %arg4[%add3A_163, %dma_start3A_169] : memref<8192x2048xf32, #tpu.memory_space<hbm>> -> memref<16x2048xf32, #tpu.memory_space<hbm>>
    %dma_start3A_171 = arith.constant 0 : i32
    %dma_start3A_172 = tpu.memref_slice %arg4[%add3A_163, %dma_start3A_171] : memref<8192x2048xf32, #tpu.memory_space<hbm>> -> memref<16x2048xf32, #tpu.memory_space<hbm>>
    %dma_start3A_173 = arith.constant 0 : i32
    %dma_start3A_174 = arith.constant 0 : i32
    %dma_start3A_175 = tpu.memref_slice %arg6[%dma_start3A_164, %dma_start3A_173, %dma_start3A_174] : memref<3x16x2048xf32, #tpu.memory_space<vmem>> -> memref<1x16x2048xf32, #tpu.memory_space<vmem>>
    %dma_start3A_176 = tpu.memref_squeeze %dma_start3A_175 : memref<1x16x2048xf32, #tpu.memory_space<vmem>> -> memref<16x2048xf32, #tpu.memory_space<vmem>>
    tpu.enqueue_dma source(%dma_start3A_176 : memref<16x2048xf32, #tpu.memory_space<vmem>>) target(%dma_start3A_172 : memref<16x2048xf32, #tpu.memory_space<hbm>>) target_semaphore(%arg10 : memref<!tpu.dma_semaphore, #tpu.memory_space<semaphore_mem>>)
    %dma_wait3A_177 = arith.constant 2 : i32
    %dma_wait3A_178 = arith.constant 0 : i32
    %dma_wait3A_179 = arith.constant 0 : i32
    %dma_wait3A_180 = tpu.memref_slice %arg6[%dma_wait3A_177, %dma_wait3A_178, %dma_wait3A_179] : memref<3x16x2048xf32, #tpu.memory_space<vmem>> -> memref<1x16x2048xf32, #tpu.memory_space<vmem>>
    %dma_wait3A_181 = tpu.memref_squeeze %dma_wait3A_180 : memref<1x16x2048xf32, #tpu.memory_space<vmem>> -> memref<16x2048xf32, #tpu.memory_space<vmem>>
    %dma_wait3A_182 = arith.constant 0 : i32
    %dma_wait3A_183 = tpu.memref_slice %arg4[%add3A_115, %dma_wait3A_182] : memref<8192x2048xf32, #tpu.memory_space<hbm>> -> memref<16x2048xf32, #tpu.memory_space<hbm>>
    %dma_wait3A_184 = arith.constant 0 : i32
    %dma_wait3A_185 = tpu.memref_slice %arg4[%add3A_115, %dma_wait3A_184] : memref<8192x2048xf32, #tpu.memory_space<hbm>> -> memref<16x2048xf32, #tpu.memory_space<hbm>>
    %dma_wait3A_186 = arith.constant 0 : i32
    %dma_wait3A_187 = arith.constant 0 : i32
    %dma_wait3A_188 = tpu.memref_slice %arg6[%dma_wait3A_177, %dma_wait3A_186, %dma_wait3A_187] : memref<3x16x2048xf32, #tpu.memory_space<vmem>> -> memref<1x16x2048xf32, #tpu.memory_space<vmem>>
    %dma_wait3A_189 = tpu.memref_squeeze %dma_wait3A_188 : memref<1x16x2048xf32, #tpu.memory_space<vmem>> -> memref<16x2048xf32, #tpu.memory_space<vmem>>
    tpu.wait_dma2 semaphore(%arg12 : memref<!tpu.dma_semaphore, #tpu.memory_space<semaphore_mem>>) src(%dma_wait3A_189 : memref<16x2048xf32, #tpu.memory_space<vmem>>) dst(%dma_wait3A_185 : memref<16x2048xf32, #tpu.memory_space<hbm>>)
    %dma_start3A_190 = arith.constant 2 : i32
    %dma_start3A_191 = arith.constant 0 : i32
    %dma_start3A_192 = arith.constant 0 : i32
    %dma_start3A_193 = tpu.memref_slice %arg6[%dma_start3A_190, %dma_start3A_191, %dma_start3A_192] : memref<3x16x2048xf32, #tpu.memory_space<vmem>> -> memref<1x16x2048xf32, #tpu.memory_space<vmem>>
    %dma_start3A_194 = tpu.memref_squeeze %dma_start3A_193 : memref<1x16x2048xf32, #tpu.memory_space<vmem>> -> memref<16x2048xf32, #tpu.memory_space<vmem>>
    %dma_start3A_195 = arith.constant 80 : i32
    %dma_start3A_196 = tpu.memref_slice %arg5[%dma_start3A_195] : memref<256xi32, #tpu.memory_space<vmem>> -> memref<16xi32, #tpu.memory_space<vmem>>
    %dma_start3A_197 = arith.constant 0 : i32
    %dma_start3A_198 = arith.constant 0 : i32
    %dma_start3A_199 = tpu.memref_slice %arg3[%dma_start3A_197, %dma_start3A_198] : memref<36000x2048xf32, #tpu.memory_space<hbm>> -> memref<36000x2048xf32, #tpu.memory_space<hbm>>
    tpu.enqueue_indirect_dma source(%dma_start3A_199 : memref<36000x2048xf32, #tpu.memory_space<hbm>>) target(%dma_start3A_194 : memref<16x2048xf32, #tpu.memory_space<vmem>>) offsets(%dma_start3A_196 : memref<16xi32, #tpu.memory_space<vmem>>) semaphore(%arg9 : memref<!tpu.dma_semaphore, #tpu.memory_space<semaphore_mem>>)
    %dma_wait3A_200 = arith.constant 1 : i32
    %dma_wait3A_201 = arith.constant 0 : i32
    %dma_wait3A_202 = arith.constant 0 : i32
    %dma_wait3A_203 = tpu.memref_slice %arg6[%dma_wait3A_200, %dma_wait3A_201, %dma_wait3A_202] : memref<3x16x2048xf32, #tpu.memory_space<vmem>> -> memref<1x16x2048xf32, #tpu.memory_space<vmem>>
    %dma_wait3A_204 = tpu.memref_squeeze %dma_wait3A_203 : memref<1x16x2048xf32, #tpu.memory_space<vmem>> -> memref<16x2048xf32, #tpu.memory_space<vmem>>
    %dma_wait3A_205 = arith.constant 64 : i32
    %dma_wait3A_206 = tpu.memref_slice %arg5[%dma_wait3A_205] : memref<256xi32, #tpu.memory_space<vmem>> -> memref<16xi32, #tpu.memory_space<vmem>>
    %dma_wait3A_207 = arith.constant 0 : i32
    %dma_wait3A_208 = arith.constant 0 : i32
    %dma_wait3A_209 = tpu.memref_slice %arg3[%dma_wait3A_207, %dma_wait3A_208] : memref<36000x2048xf32, #tpu.memory_space<hbm>> -> memref<36000x2048xf32, #tpu.memory_space<hbm>>
    tpu.wait_indirect_dma semaphore(%arg8 : memref<!tpu.dma_semaphore, #tpu.memory_space<semaphore_mem>>) src(%dma_wait3A_209 : memref<36000x2048xf32, #tpu.memory_space<hbm>>) dst(%dma_wait3A_204 : memref<16x2048xf32, #tpu.memory_space<vmem>>)
    %add3A_210 = arith.constant 64 : i32
    %add3A_211 = arith.addi %mul3A_2, %add3A_210 : i32
    %dma_start3A_212 = arith.constant 1 : i32
    %dma_start3A_213 = arith.constant 0 : i32
    %dma_start3A_214 = arith.constant 0 : i32
    %dma_start3A_215 = tpu.memref_slice %arg6[%dma_start3A_212, %dma_start3A_213, %dma_start3A_214] : memref<3x16x2048xf32, #tpu.memory_space<vmem>> -> memref<1x16x2048xf32, #tpu.memory_space<vmem>>
    %dma_start3A_216 = tpu.memref_squeeze %dma_start3A_215 : memref<1x16x2048xf32, #tpu.memory_space<vmem>> -> memref<16x2048xf32, #tpu.memory_space<vmem>>
    %dma_start3A_217 = arith.constant 0 : i32
    %dma_start3A_218 = tpu.memref_slice %arg4[%add3A_211, %dma_start3A_217] : memref<8192x2048xf32, #tpu.memory_space<hbm>> -> memref<16x2048xf32, #tpu.memory_space<hbm>>
    %dma_start3A_219 = arith.constant 0 : i32
    %dma_start3A_220 = tpu.memref_slice %arg4[%add3A_211, %dma_start3A_219] : memref<8192x2048xf32, #tpu.memory_space<hbm>> -> memref<16x2048xf32, #tpu.memory_space<hbm>>
    %dma_start3A_221 = arith.constant 0 : i32
    %dma_start3A_222 = arith.constant 0 : i32
    %dma_start3A_223 = tpu.memref_slice %arg6[%dma_start3A_212, %dma_start3A_221, %dma_start3A_222] : memref<3x16x2048xf32, #tpu.memory_space<vmem>> -> memref<1x16x2048xf32, #tpu.memory_space<vmem>>
    %dma_start3A_224 = tpu.memref_squeeze %dma_start3A_223 : memref<1x16x2048xf32, #tpu.memory_space<vmem>> -> memref<16x2048xf32, #tpu.memory_space<vmem>>
    tpu.enqueue_dma source(%dma_start3A_224 : memref<16x2048xf32, #tpu.memory_space<vmem>>) target(%dma_start3A_220 : memref<16x2048xf32, #tpu.memory_space<hbm>>) target_semaphore(%arg11 : memref<!tpu.dma_semaphore, #tpu.memory_space<semaphore_mem>>)
    %dma_wait3A_225 = arith.constant 0 : i32
    %dma_wait3A_226 = arith.constant 0 : i32
    %dma_wait3A_227 = arith.constant 0 : i32
    %dma_wait3A_228 = tpu.memref_slice %arg6[%dma_wait3A_225, %dma_wait3A_226, %dma_wait3A_227] : memref<3x16x2048xf32, #tpu.memory_space<vmem>> -> memref<1x16x2048xf32, #tpu.memory_space<vmem>>
    %dma_wait3A_229 = tpu.memref_squeeze %dma_wait3A_228 : memref<1x16x2048xf32, #tpu.memory_space<vmem>> -> memref<16x2048xf32, #tpu.memory_space<vmem>>
    %dma_wait3A_230 = arith.constant 0 : i32
    %dma_wait3A_231 = tpu.memref_slice %arg4[%add3A_163, %dma_wait3A_230] : memref<8192x2048xf32, #tpu.memory_space<hbm>> -> memref<16x2048xf32, #tpu.memory_space<hbm>>
    %dma_wait3A_232 = arith.constant 0 : i32
    %dma_wait3A_233 = tpu.memref_slice %arg4[%add3A_163, %dma_wait3A_232] : memref<8192x2048xf32, #tpu.memory_space<hbm>> -> memref<16x2048xf32, #tpu.memory_space<hbm>>
    %dma_wait3A_234 = arith.constant 0 : i32
    %dma_wait3A_235 = arith.constant 0 : i32
    %dma_wait3A_236 = tpu.memref_slice %arg6[%dma_wait3A_225, %dma_wait3A_234, %dma_wait3A_235] : memref<3x16x2048xf32, #tpu.memory_space<vmem>> -> memref<1x16x2048xf32, #tpu.memory_space<vmem>>
    %dma_wait3A_237 = tpu.memref_squeeze %dma_wait3A_236 : memref<1x16x2048xf32, #tpu.memory_space<vmem>> -> memref<16x2048xf32, #tpu.memory_space<vmem>>
    tpu.wait_dma2 semaphore(%arg10 : memref<!tpu.dma_semaphore, #tpu.memory_space<semaphore_mem>>) src(%dma_wait3A_237 : memref<16x2048xf32, #tpu.memory_space<vmem>>) dst(%dma_wait3A_233 : memref<16x2048xf32, #tpu.memory_space<hbm>>)
    %dma_start3A_238 = arith.constant 0 : i32
    %dma_start3A_239 = arith.constant 0 : i32
    %dma_start3A_240 = arith.constant 0 : i32
    %dma_start3A_241 = tpu.memref_slice %arg6[%dma_start3A_238, %dma_start3A_239, %dma_start3A_240] : memref<3x16x2048xf32, #tpu.memory_space<vmem>> -> memref<1x16x2048xf32, #tpu.memory_space<vmem>>
    %dma_start3A_242 = tpu.memref_squeeze %dma_start3A_241 : memref<1x16x2048xf32, #tpu.memory_space<vmem>> -> memref<16x2048xf32, #tpu.memory_space<vmem>>
    %dma_start3A_243 = arith.constant 96 : i32
    %dma_start3A_244 = tpu.memref_slice %arg5[%dma_start3A_243] : memref<256xi32, #tpu.memory_space<vmem>> -> memref<16xi32, #tpu.memory_space<vmem>>
    %dma_start3A_245 = arith.constant 0 : i32
    %dma_start3A_246 = arith.constant 0 : i32
    %dma_start3A_247 = tpu.memref_slice %arg3[%dma_start3A_245, %dma_start3A_246] : memref<36000x2048xf32, #tpu.memory_space<hbm>> -> memref<36000x2048xf32, #tpu.memory_space<hbm>>
    tpu.enqueue_indirect_dma source(%dma_start3A_247 : memref<36000x2048xf32, #tpu.memory_space<hbm>>) target(%dma_start3A_242 : memref<16x2048xf32, #tpu.memory_space<vmem>>) offsets(%dma_start3A_244 : memref<16xi32, #tpu.memory_space<vmem>>) semaphore(%arg7 : memref<!tpu.dma_semaphore, #tpu.memory_space<semaphore_mem>>)
    %dma_wait3A_248 = arith.constant 2 : i32
    %dma_wait3A_249 = arith.constant 0 : i32
    %dma_wait3A_250 = arith.constant 0 : i32
    %dma_wait3A_251 = tpu.memref_slice %arg6[%dma_wait3A_248, %dma_wait3A_249, %dma_wait3A_250] : memref<3x16x2048xf32, #tpu.memory_space<vmem>> -> memref<1x16x2048xf32, #tpu.memory_space<vmem>>
    %dma_wait3A_252 = tpu.memref_squeeze %dma_wait3A_251 : memref<1x16x2048xf32, #tpu.memory_space<vmem>> -> memref<16x2048xf32, #tpu.memory_space<vmem>>
    %dma_wait3A_253 = arith.constant 80 : i32
    %dma_wait3A_254 = tpu.memref_slice %arg5[%dma_wait3A_253] : memref<256xi32, #tpu.memory_space<vmem>> -> memref<16xi32, #tpu.memory_space<vmem>>
    %dma_wait3A_255 = arith.constant 0 : i32
    %dma_wait3A_256 = arith.constant 0 : i32
    %dma_wait3A_257 = tpu.memref_slice %arg3[%dma_wait3A_255, %dma_wait3A_256] : memref<36000x2048xf32, #tpu.memory_space<hbm>> -> memref<36000x2048xf32, #tpu.memory_space<hbm>>
    tpu.wait_indirect_dma semaphore(%arg9 : memref<!tpu.dma_semaphore, #tpu.memory_space<semaphore_mem>>) src(%dma_wait3A_257 : memref<36000x2048xf32, #tpu.memory_space<hbm>>) dst(%dma_wait3A_252 : memref<16x2048xf32, #tpu.memory_space<vmem>>)
    %add3A_258 = arith.constant 80 : i32
    %add3A_259 = arith.addi %mul3A_2, %add3A_258 : i32
    %dma_start3A_260 = arith.constant 2 : i32
    %dma_start3A_261 = arith.constant 0 : i32
    %dma_start3A_262 = arith.constant 0 : i32
    %dma_start3A_263 = tpu.memref_slice %arg6[%dma_start3A_260, %dma_start3A_261, %dma_start3A_262] : memref<3x16x2048xf32, #tpu.memory_space<vmem>> -> memref<1x16x2048xf32, #tpu.memory_space<vmem>>
    %dma_start3A_264 = tpu.memref_squeeze %dma_start3A_263 : memref<1x16x2048xf32, #tpu.memory_space<vmem>> -> memref<16x2048xf32, #tpu.memory_space<vmem>>
    %dma_start3A_265 = arith.constant 0 : i32
    %dma_start3A_266 = tpu.memref_slice %arg4[%add3A_259, %dma_start3A_265] : memref<8192x2048xf32, #tpu.memory_space<hbm>> -> memref<16x2048xf32, #tpu.memory_space<hbm>>
    %dma_start3A_267 = arith.constant 0 : i32
    %dma_start3A_268 = tpu.memref_slice %arg4[%add3A_259, %dma_start3A_267] : memref<8192x2048xf32, #tpu.memory_space<hbm>> -> memref<16x2048xf32, #tpu.memory_space<hbm>>
    %dma_start3A_269 = arith.constant 0 : i32
    %dma_start3A_270 = arith.constant 0 : i32
    %dma_start3A_271 = tpu.memref_slice %arg6[%dma_start3A_260, %dma_start3A_269, %dma_start3A_270] : memref<3x16x2048xf32, #tpu.memory_space<vmem>> -> memref<1x16x2048xf32, #tpu.memory_space<vmem>>
    %dma_start3A_272 = tpu.memref_squeeze %dma_start3A_271 : memref<1x16x2048xf32, #tpu.memory_space<vmem>> -> memref<16x2048xf32, #tpu.memory_space<vmem>>
    tpu.enqueue_dma source(%dma_start3A_272 : memref<16x2048xf32, #tpu.memory_space<vmem>>) target(%dma_start3A_268 : memref<16x2048xf32, #tpu.memory_space<hbm>>) target_semaphore(%arg12 : memref<!tpu.dma_semaphore, #tpu.memory_space<semaphore_mem>>)
    %dma_wait3A_273 = arith.constant 1 : i32
    %dma_wait3A_274 = arith.constant 0 : i32
    %dma_wait3A_275 = arith.constant 0 : i32
    %dma_wait3A_276 = tpu.memref_slice %arg6[%dma_wait3A_273, %dma_wait3A_274, %dma_wait3A_275] : memref<3x16x2048xf32, #tpu.memory_space<vmem>> -> memref<1x16x2048xf32, #tpu.memory_space<vmem>>
    %dma_wait3A_277 = tpu.memref_squeeze %dma_wait3A_276 : memref<1x16x2048xf32, #tpu.memory_space<vmem>> -> memref<16x2048xf32, #tpu.memory_space<vmem>>
    %dma_wait3A_278 = arith.constant 0 : i32
    %dma_wait3A_279 = tpu.memref_slice %arg4[%add3A_211, %dma_wait3A_278] : memref<8192x2048xf32, #tpu.memory_space<hbm>> -> memref<16x2048xf32, #tpu.memory_space<hbm>>
    %dma_wait3A_280 = arith.constant 0 : i32
    %dma_wait3A_281 = tpu.memref_slice %arg4[%add3A_211, %dma_wait3A_280] : memref<8192x2048xf32, #tpu.memory_space<hbm>> -> memref<16x2048xf32, #tpu.memory_space<hbm>>
    %dma_wait3A_282 = arith.constant 0 : i32
    %dma_wait3A_283 = arith.constant 0 : i32
    %dma_wait3A_284 = tpu.memref_slice %arg6[%dma_wait3A_273, %dma_wait3A_282, %dma_wait3A_283] : memref<3x16x2048xf32, #tpu.memory_space<vmem>> -> memref<1x16x2048xf32, #tpu.memory_space<vmem>>
    %dma_wait3A_285 = tpu.memref_squeeze %dma_wait3A_284 : memref<1x16x2048xf32, #tpu.memory_space<vmem>> -> memref<16x2048xf32, #tpu.memory_space<vmem>>
    tpu.wait_dma2 semaphore(%arg11 : memref<!tpu.dma_semaphore, #tpu.memory_space<semaphore_mem>>) src(%dma_wait3A_285 : memref<16x2048xf32, #tpu.memory_space<vmem>>) dst(%dma_wait3A_281 : memref<16x2048xf32, #tpu.memory_space<hbm>>)
    %dma_start3A_286 = arith.constant 1 : i32
    %dma_start3A_287 = arith.constant 0 : i32
    %dma_start3A_288 = arith.constant 0 : i32
    %dma_start3A_289 = tpu.memref_slice %arg6[%dma_start3A_286, %dma_start3A_287, %dma_start3A_288] : memref<3x16x2048xf32, #tpu.memory_space<vmem>> -> memref<1x16x2048xf32, #tpu.memory_space<vmem>>
    %dma_start3A_290 = tpu.memref_squeeze %dma_start3A_289 : memref<1x16x2048xf32, #tpu.memory_space<vmem>> -> memref<16x2048xf32, #tpu.memory_space<vmem>>
    %dma_start3A_291 = arith.constant 112 : i32
    %dma_start3A_292 = tpu.memref_slice %arg5[%dma_start3A_291] : memref<256xi32, #tpu.memory_space<vmem>> -> memref<16xi32, #tpu.memory_space<vmem>>
    %dma_start3A_293 = arith.constant 0 : i32
    %dma_start3A_294 = arith.constant 0 : i32
    %dma_start3A_295 = tpu.memref_slice %arg3[%dma_start3A_293, %dma_start3A_294] : memref<36000x2048xf32, #tpu.memory_space<hbm>> -> memref<36000x2048xf32, #tpu.memory_space<hbm>>
    tpu.enqueue_indirect_dma source(%dma_start3A_295 : memref<36000x2048xf32, #tpu.memory_space<hbm>>) target(%dma_start3A_290 : memref<16x2048xf32, #tpu.memory_space<vmem>>) offsets(%dma_start3A_292 : memref<16xi32, #tpu.memory_space<vmem>>) semaphore(%arg8 : memref<!tpu.dma_semaphore, #tpu.memory_space<semaphore_mem>>)
    %dma_wait3A_296 = arith.constant 0 : i32
    %dma_wait3A_297 = arith.constant 0 : i32
    %dma_wait3A_298 = arith.constant 0 : i32
    %dma_wait3A_299 = tpu.memref_slice %arg6[%dma_wait3A_296, %dma_wait3A_297, %dma_wait3A_298] : memref<3x16x2048xf32, #tpu.memory_space<vmem>> -> memref<1x16x2048xf32, #tpu.memory_space<vmem>>
    %dma_wait3A_300 = tpu.memref_squeeze %dma_wait3A_299 : memref<1x16x2048xf32, #tpu.memory_space<vmem>> -> memref<16x2048xf32, #tpu.memory_space<vmem>>
    %dma_wait3A_301 = arith.constant 96 : i32
    %dma_wait3A_302 = tpu.memref_slice %arg5[%dma_wait3A_301] : memref<256xi32, #tpu.memory_space<vmem>> -> memref<16xi32, #tpu.memory_space<vmem>>
    %dma_wait3A_303 = arith.constant 0 : i32
    %dma_wait3A_304 = arith.constant 0 : i32
    %dma_wait3A_305 = tpu.memref_slice %arg3[%dma_wait3A_303, %dma_wait3A_304] : memref<36000x2048xf32, #tpu.memory_space<hbm>> -> memref<36000x2048xf32, #tpu.memory_space<hbm>>
    tpu.wait_indirect_dma semaphore(%arg7 : memref<!tpu.dma_semaphore, #tpu.memory_space<semaphore_mem>>) src(%dma_wait3A_305 : memref<36000x2048xf32, #tpu.memory_space<hbm>>) dst(%dma_wait3A_300 : memref<16x2048xf32, #tpu.memory_space<vmem>>)
    %add3A_306 = arith.constant 96 : i32
    %add3A_307 = arith.addi %mul3A_2, %add3A_306 : i32
    %dma_start3A_308 = arith.constant 0 : i32
    %dma_start3A_309 = arith.constant 0 : i32
    %dma_start3A_310 = arith.constant 0 : i32
    %dma_start3A_311 = tpu.memref_slice %arg6[%dma_start3A_308, %dma_start3A_309, %dma_start3A_310] : memref<3x16x2048xf32, #tpu.memory_space<vmem>> -> memref<1x16x2048xf32, #tpu.memory_space<vmem>>
    %dma_start3A_312 = tpu.memref_squeeze %dma_start3A_311 : memref<1x16x2048xf32, #tpu.memory_space<vmem>> -> memref<16x2048xf32, #tpu.memory_space<vmem>>
    %dma_start3A_313 = arith.constant 0 : i32
    %dma_start3A_314 = tpu.memref_slice %arg4[%add3A_307, %dma_start3A_313] : memref<8192x2048xf32, #tpu.memory_space<hbm>> -> memref<16x2048xf32, #tpu.memory_space<hbm>>
    %dma_start3A_315 = arith.constant 0 : i32
    %dma_start3A_316 = tpu.memref_slice %arg4[%add3A_307, %dma_start3A_315] : memref<8192x2048xf32, #tpu.memory_space<hbm>> -> memref<16x2048xf32, #tpu.memory_space<hbm>>
    %dma_start3A_317 = arith.constant 0 : i32
    %dma_start3A_318 = arith.constant 0 : i32
    %dma_start3A_319 = tpu.memref_slice %arg6[%dma_start3A_308, %dma_start3A_317, %dma_start3A_318] : memref<3x16x2048xf32, #tpu.memory_space<vmem>> -> memref<1x16x2048xf32, #tpu.memory_space<vmem>>
    %dma_start3A_320 = tpu.memref_squeeze %dma_start3A_319 : memref<1x16x2048xf32, #tpu.memory_space<vmem>> -> memref<16x2048xf32, #tpu.memory_space<vmem>>
    tpu.enqueue_dma source(%dma_start3A_320 : memref<16x2048xf32, #tpu.memory_space<vmem>>) target(%dma_start3A_316 : memref<16x2048xf32, #tpu.memory_space<hbm>>) target_semaphore(%arg10 : memref<!tpu.dma_semaphore, #tpu.memory_space<semaphore_mem>>)
    %dma_wait3A_321 = arith.constant 2 : i32
    %dma_wait3A_322 = arith.constant 0 : i32
    %dma_wait3A_323 = arith.constant 0 : i32
    %dma_wait3A_324 = tpu.memref_slice %arg6[%dma_wait3A_321, %dma_wait3A_322, %dma_wait3A_323] : memref<3x16x2048xf32, #tpu.memory_space<vmem>> -> memref<1x16x2048xf32, #tpu.memory_space<vmem>>
    %dma_wait3A_325 = tpu.memref_squeeze %dma_wait3A_324 : memref<1x16x2048xf32, #tpu.memory_space<vmem>> -> memref<16x2048xf32, #tpu.memory_space<vmem>>
    %dma_wait3A_326 = arith.constant 0 : i32
    %dma_wait3A_327 = tpu.memref_slice %arg4[%add3A_259, %dma_wait3A_326] : memref<8192x2048xf32, #tpu.memory_space<hbm>> -> memref<16x2048xf32, #tpu.memory_space<hbm>>
    %dma_wait3A_328 = arith.constant 0 : i32
    %dma_wait3A_329 = tpu.memref_slice %arg4[%add3A_259, %dma_wait3A_328] : memref<8192x2048xf32, #tpu.memory_space<hbm>> -> memref<16x2048xf32, #tpu.memory_space<hbm>>
    %dma_wait3A_330 = arith.constant 0 : i32
    %dma_wait3A_331 = arith.constant 0 : i32
    %dma_wait3A_332 = tpu.memref_slice %arg6[%dma_wait3A_321, %dma_wait3A_330, %dma_wait3A_331] : memref<3x16x2048xf32, #tpu.memory_space<vmem>> -> memref<1x16x2048xf32, #tpu.memory_space<vmem>>
    %dma_wait3A_333 = tpu.memref_squeeze %dma_wait3A_332 : memref<1x16x2048xf32, #tpu.memory_space<vmem>> -> memref<16x2048xf32, #tpu.memory_space<vmem>>
    tpu.wait_dma2 semaphore(%arg12 : memref<!tpu.dma_semaphore, #tpu.memory_space<semaphore_mem>>) src(%dma_wait3A_333 : memref<16x2048xf32, #tpu.memory_space<vmem>>) dst(%dma_wait3A_329 : memref<16x2048xf32, #tpu.memory_space<hbm>>)
    %dma_start3A_334 = arith.constant 2 : i32
    %dma_start3A_335 = arith.constant 0 : i32
    %dma_start3A_336 = arith.constant 0 : i32
    %dma_start3A_337 = tpu.memref_slice %arg6[%dma_start3A_334, %dma_start3A_335, %dma_start3A_336] : memref<3x16x2048xf32, #tpu.memory_space<vmem>> -> memref<1x16x2048xf32, #tpu.memory_space<vmem>>
    %dma_start3A_338 = tpu.memref_squeeze %dma_start3A_337 : memref<1x16x2048xf32, #tpu.memory_space<vmem>> -> memref<16x2048xf32, #tpu.memory_space<vmem>>
    %dma_start3A_339 = arith.constant 128 : i32
    %dma_start3A_340 = tpu.memref_slice %arg5[%dma_start3A_339] : memref<256xi32, #tpu.memory_space<vmem>> -> memref<16xi32, #tpu.memory_space<vmem>>
    %dma_start3A_341 = arith.constant 0 : i32
    %dma_start3A_342 = arith.constant 0 : i32
    %dma_start3A_343 = tpu.memref_slice %arg3[%dma_start3A_341, %dma_start3A_342] : memref<36000x2048xf32, #tpu.memory_space<hbm>> -> memref<36000x2048xf32, #tpu.memory_space<hbm>>
    tpu.enqueue_indirect_dma source(%dma_start3A_343 : memref<36000x2048xf32, #tpu.memory_space<hbm>>) target(%dma_start3A_338 : memref<16x2048xf32, #tpu.memory_space<vmem>>) offsets(%dma_start3A_340 : memref<16xi32, #tpu.memory_space<vmem>>) semaphore(%arg9 : memref<!tpu.dma_semaphore, #tpu.memory_space<semaphore_mem>>)
    %dma_wait3A_344 = arith.constant 1 : i32
    %dma_wait3A_345 = arith.constant 0 : i32
    %dma_wait3A_346 = arith.constant 0 : i32
    %dma_wait3A_347 = tpu.memref_slice %arg6[%dma_wait3A_344, %dma_wait3A_345, %dma_wait3A_346] : memref<3x16x2048xf32, #tpu.memory_space<vmem>> -> memref<1x16x2048xf32, #tpu.memory_space<vmem>>
    %dma_wait3A_348 = tpu.memref_squeeze %dma_wait3A_347 : memref<1x16x2048xf32, #tpu.memory_space<vmem>> -> memref<16x2048xf32, #tpu.memory_space<vmem>>
    %dma_wait3A_349 = arith.constant 112 : i32
    %dma_wait3A_350 = tpu.memref_slice %arg5[%dma_wait3A_349] : memref<256xi32, #tpu.memory_space<vmem>> -> memref<16xi32, #tpu.memory_space<vmem>>
    %dma_wait3A_351 = arith.constant 0 : i32
    %dma_wait3A_352 = arith.constant 0 : i32
    %dma_wait3A_353 = tpu.memref_slice %arg3[%dma_wait3A_351, %dma_wait3A_352] : memref<36000x2048xf32, #tpu.memory_space<hbm>> -> memref<36000x2048xf32, #tpu.memory_space<hbm>>
    tpu.wait_indirect_dma semaphore(%arg8 : memref<!tpu.dma_semaphore, #tpu.memory_space<semaphore_mem>>) src(%dma_wait3A_353 : memref<36000x2048xf32, #tpu.memory_space<hbm>>) dst(%dma_wait3A_348 : memref<16x2048xf32, #tpu.memory_space<vmem>>)
    %add3A_354 = arith.constant 112 : i32
    %add3A_355 = arith.addi %mul3A_2, %add3A_354 : i32
    %dma_start3A_356 = arith.constant 1 : i32
    %dma_start3A_357 = arith.constant 0 : i32
    %dma_start3A_358 = arith.constant 0 : i32
    %dma_start3A_359 = tpu.memref_slice %arg6[%dma_start3A_356, %dma_start3A_357, %dma_start3A_358] : memref<3x16x2048xf32, #tpu.memory_space<vmem>> -> memref<1x16x2048xf32, #tpu.memory_space<vmem>>
    %dma_start3A_360 = tpu.memref_squeeze %dma_start3A_359 : memref<1x16x2048xf32, #tpu.memory_space<vmem>> -> memref<16x2048xf32, #tpu.memory_space<vmem>>
    %dma_start3A_361 = arith.constant 0 : i32
    %dma_start3A_362 = tpu.memref_slice %arg4[%add3A_355, %dma_start3A_361] : memref<8192x2048xf32, #tpu.memory_space<hbm>> -> memref<16x2048xf32, #tpu.memory_space<hbm>>
    %dma_start3A_363 = arith.constant 0 : i32
    %dma_start3A_364 = tpu.memref_slice %arg4[%add3A_355, %dma_start3A_363] : memref<8192x2048xf32, #tpu.memory_space<hbm>> -> memref<16x2048xf32, #tpu.memory_space<hbm>>
    %dma_start3A_365 = arith.constant 0 : i32
    %dma_start3A_366 = arith.constant 0 : i32
    %dma_start3A_367 = tpu.memref_slice %arg6[%dma_start3A_356, %dma_start3A_365, %dma_start3A_366] : memref<3x16x2048xf32, #tpu.memory_space<vmem>> -> memref<1x16x2048xf32, #tpu.memory_space<vmem>>
    %dma_start3A_368 = tpu.memref_squeeze %dma_start3A_367 : memref<1x16x2048xf32, #tpu.memory_space<vmem>> -> memref<16x2048xf32, #tpu.memory_space<vmem>>
    tpu.enqueue_dma source(%dma_start3A_368 : memref<16x2048xf32, #tpu.memory_space<vmem>>) target(%dma_start3A_364 : memref<16x2048xf32, #tpu.memory_space<hbm>>) target_semaphore(%arg11 : memref<!tpu.dma_semaphore, #tpu.memory_space<semaphore_mem>>)
    %dma_wait3A_369 = arith.constant 0 : i32
    %dma_wait3A_370 = arith.constant 0 : i32
    %dma_wait3A_371 = arith.constant 0 : i32
    %dma_wait3A_372 = tpu.memref_slice %arg6[%dma_wait3A_369, %dma_wait3A_370, %dma_wait3A_371] : memref<3x16x2048xf32, #tpu.memory_space<vmem>> -> memref<1x16x2048xf32, #tpu.memory_space<vmem>>
    %dma_wait3A_373 = tpu.memref_squeeze %dma_wait3A_372 : memref<1x16x2048xf32, #tpu.memory_space<vmem>> -> memref<16x2048xf32, #tpu.memory_space<vmem>>
    %dma_wait3A_374 = arith.constant 0 : i32
    %dma_wait3A_375 = tpu.memref_slice %arg4[%add3A_307, %dma_wait3A_374] : memref<8192x2048xf32, #tpu.memory_space<hbm>> -> memref<16x2048xf32, #tpu.memory_space<hbm>>
    %dma_wait3A_376 = arith.constant 0 : i32
    %dma_wait3A_377 = tpu.memref_slice %arg4[%add3A_307, %dma_wait3A_376] : memref<8192x2048xf32, #tpu.memory_space<hbm>> -> memref<16x2048xf32, #tpu.memory_space<hbm>>
    %dma_wait3A_378 = arith.constant 0 : i32
    %dma_wait3A_379 = arith.constant 0 : i32
    %dma_wait3A_380 = tpu.memref_slice %arg6[%dma_wait3A_369, %dma_wait3A_378, %dma_wait3A_379] : memref<3x16x2048xf32, #tpu.memory_space<vmem>> -> memref<1x16x2048xf32, #tpu.memory_space<vmem>>
    %dma_wait3A_381 = tpu.memref_squeeze %dma_wait3A_380 : memref<1x16x2048xf32, #tpu.memory_space<vmem>> -> memref<16x2048xf32, #tpu.memory_space<vmem>>
    tpu.wait_dma2 semaphore(%arg10 : memref<!tpu.dma_semaphore, #tpu.memory_space<semaphore_mem>>) src(%dma_wait3A_381 : memref<16x2048xf32, #tpu.memory_space<vmem>>) dst(%dma_wait3A_377 : memref<16x2048xf32, #tpu.memory_space<hbm>>)
    %dma_start3A_382 = arith.constant 0 : i32
    %dma_start3A_383 = arith.constant 0 : i32
    %dma_start3A_384 = arith.constant 0 : i32
    %dma_start3A_385 = tpu.memref_slice %arg6[%dma_start3A_382, %dma_start3A_383, %dma_start3A_384] : memref<3x16x2048xf32, #tpu.memory_space<vmem>> -> memref<1x16x2048xf32, #tpu.memory_space<vmem>>
    %dma_start3A_386 = tpu.memref_squeeze %dma_start3A_385 : memref<1x16x2048xf32, #tpu.memory_space<vmem>> -> memref<16x2048xf32, #tpu.memory_space<vmem>>
    %dma_start3A_387 = arith.constant 144 : i32
    %dma_start3A_388 = tpu.memref_slice %arg5[%dma_start3A_387] : memref<256xi32, #tpu.memory_space<vmem>> -> memref<16xi32, #tpu.memory_space<vmem>>
    %dma_start3A_389 = arith.constant 0 : i32
    %dma_start3A_390 = arith.constant 0 : i32
    %dma_start3A_391 = tpu.memref_slice %arg3[%dma_start3A_389, %dma_start3A_390] : memref<36000x2048xf32, #tpu.memory_space<hbm>> -> memref<36000x2048xf32, #tpu.memory_space<hbm>>
    tpu.enqueue_indirect_dma source(%dma_start3A_391 : memref<36000x2048xf32, #tpu.memory_space<hbm>>) target(%dma_start3A_386 : memref<16x2048xf32, #tpu.memory_space<vmem>>) offsets(%dma_start3A_388 : memref<16xi32, #tpu.memory_space<vmem>>) semaphore(%arg7 : memref<!tpu.dma_semaphore, #tpu.memory_space<semaphore_mem>>)
    %dma_wait3A_392 = arith.constant 2 : i32
    %dma_wait3A_393 = arith.constant 0 : i32
    %dma_wait3A_394 = arith.constant 0 : i32
    %dma_wait3A_395 = tpu.memref_slice %arg6[%dma_wait3A_392, %dma_wait3A_393, %dma_wait3A_394] : memref<3x16x2048xf32, #tpu.memory_space<vmem>> -> memref<1x16x2048xf32, #tpu.memory_space<vmem>>
    %dma_wait3A_396 = tpu.memref_squeeze %dma_wait3A_395 : memref<1x16x2048xf32, #tpu.memory_space<vmem>> -> memref<16x2048xf32, #tpu.memory_space<vmem>>
    %dma_wait3A_397 = arith.constant 128 : i32
    %dma_wait3A_398 = tpu.memref_slice %arg5[%dma_wait3A_397] : memref<256xi32, #tpu.memory_space<vmem>> -> memref<16xi32, #tpu.memory_space<vmem>>
    %dma_wait3A_399 = arith.constant 0 : i32
    %dma_wait3A_400 = arith.constant 0 : i32
    %dma_wait3A_401 = tpu.memref_slice %arg3[%dma_wait3A_399, %dma_wait3A_400] : memref<36000x2048xf32, #tpu.memory_space<hbm>> -> memref<36000x2048xf32, #tpu.memory_space<hbm>>
    tpu.wait_indirect_dma semaphore(%arg9 : memref<!tpu.dma_semaphore, #tpu.memory_space<semaphore_mem>>) src(%dma_wait3A_401 : memref<36000x2048xf32, #tpu.memory_space<hbm>>) dst(%dma_wait3A_396 : memref<16x2048xf32, #tpu.memory_space<vmem>>)
    %add3A_402 = arith.constant 128 : i32
    %add3A_403 = arith.addi %mul3A_2, %add3A_402 : i32
    %dma_start3A_404 = arith.constant 2 : i32
    %dma_start3A_405 = arith.constant 0 : i32
    %dma_start3A_406 = arith.constant 0 : i32
    %dma_start3A_407 = tpu.memref_slice %arg6[%dma_start3A_404, %dma_start3A_405, %dma_start3A_406] : memref<3x16x2048xf32, #tpu.memory_space<vmem>> -> memref<1x16x2048xf32, #tpu.memory_space<vmem>>
    %dma_start3A_408 = tpu.memref_squeeze %dma_start3A_407 : memref<1x16x2048xf32, #tpu.memory_space<vmem>> -> memref<16x2048xf32, #tpu.memory_space<vmem>>
    %dma_start3A_409 = arith.constant 0 : i32
    %dma_start3A_410 = tpu.memref_slice %arg4[%add3A_403, %dma_start3A_409] : memref<8192x2048xf32, #tpu.memory_space<hbm>> -> memref<16x2048xf32, #tpu.memory_space<hbm>>
    %dma_start3A_411 = arith.constant 0 : i32
    %dma_start3A_412 = tpu.memref_slice %arg4[%add3A_403, %dma_start3A_411] : memref<8192x2048xf32, #tpu.memory_space<hbm>> -> memref<16x2048xf32, #tpu.memory_space<hbm>>
    %dma_start3A_413 = arith.constant 0 : i32
    %dma_start3A_414 = arith.constant 0 : i32
    %dma_start3A_415 = tpu.memref_slice %arg6[%dma_start3A_404, %dma_start3A_413, %dma_start3A_414] : memref<3x16x2048xf32, #tpu.memory_space<vmem>> -> memref<1x16x2048xf32, #tpu.memory_space<vmem>>
    %dma_start3A_416 = tpu.memref_squeeze %dma_start3A_415 : memref<1x16x2048xf32, #tpu.memory_space<vmem>> -> memref<16x2048xf32, #tpu.memory_space<vmem>>
    tpu.enqueue_dma source(%dma_start3A_416 : memref<16x2048xf32, #tpu.memory_space<vmem>>) target(%dma_start3A_412 : memref<16x2048xf32, #tpu.memory_space<hbm>>) target_semaphore(%arg12 : memref<!tpu.dma_semaphore, #tpu.memory_space<semaphore_mem>>)
    %dma_wait3A_417 = arith.constant 1 : i32
    %dma_wait3A_418 = arith.constant 0 : i32
    %dma_wait3A_419 = arith.constant 0 : i32
    %dma_wait3A_420 = tpu.memref_slice %arg6[%dma_wait3A_417, %dma_wait3A_418, %dma_wait3A_419] : memref<3x16x2048xf32, #tpu.memory_space<vmem>> -> memref<1x16x2048xf32, #tpu.memory_space<vmem>>
    %dma_wait3A_421 = tpu.memref_squeeze %dma_wait3A_420 : memref<1x16x2048xf32, #tpu.memory_space<vmem>> -> memref<16x2048xf32, #tpu.memory_space<vmem>>
    %dma_wait3A_422 = arith.constant 0 : i32
    %dma_wait3A_423 = tpu.memref_slice %arg4[%add3A_355, %dma_wait3A_422] : memref<8192x2048xf32, #tpu.memory_space<hbm>> -> memref<16x2048xf32, #tpu.memory_space<hbm>>
    %dma_wait3A_424 = arith.constant 0 : i32
    %dma_wait3A_425 = tpu.memref_slice %arg4[%add3A_355, %dma_wait3A_424] : memref<8192x2048xf32, #tpu.memory_space<hbm>> -> memref<16x2048xf32, #tpu.memory_space<hbm>>
    %dma_wait3A_426 = arith.constant 0 : i32
    %dma_wait3A_427 = arith.constant 0 : i32
    %dma_wait3A_428 = tpu.memref_slice %arg6[%dma_wait3A_417, %dma_wait3A_426, %dma_wait3A_427] : memref<3x16x2048xf32, #tpu.memory_space<vmem>> -> memref<1x16x2048xf32, #tpu.memory_space<vmem>>
    %dma_wait3A_429 = tpu.memref_squeeze %dma_wait3A_428 : memref<1x16x2048xf32, #tpu.memory_space<vmem>> -> memref<16x2048xf32, #tpu.memory_space<vmem>>
    tpu.wait_dma2 semaphore(%arg11 : memref<!tpu.dma_semaphore, #tpu.memory_space<semaphore_mem>>) src(%dma_wait3A_429 : memref<16x2048xf32, #tpu.memory_space<vmem>>) dst(%dma_wait3A_425 : memref<16x2048xf32, #tpu.memory_space<hbm>>)
    %dma_start3A_430 = arith.constant 1 : i32
    %dma_start3A_431 = arith.constant 0 : i32
    %dma_start3A_432 = arith.constant 0 : i32
    %dma_start3A_433 = tpu.memref_slice %arg6[%dma_start3A_430, %dma_start3A_431, %dma_start3A_432] : memref<3x16x2048xf32, #tpu.memory_space<vmem>> -> memref<1x16x2048xf32, #tpu.memory_space<vmem>>
    %dma_start3A_434 = tpu.memref_squeeze %dma_start3A_433 : memref<1x16x2048xf32, #tpu.memory_space<vmem>> -> memref<16x2048xf32, #tpu.memory_space<vmem>>
    %dma_start3A_435 = arith.constant 160 : i32
    %dma_start3A_436 = tpu.memref_slice %arg5[%dma_start3A_435] : memref<256xi32, #tpu.memory_space<vmem>> -> memref<16xi32, #tpu.memory_space<vmem>>
    %dma_start3A_437 = arith.constant 0 : i32
    %dma_start3A_438 = arith.constant 0 : i32
    %dma_start3A_439 = tpu.memref_slice %arg3[%dma_start3A_437, %dma_start3A_438] : memref<36000x2048xf32, #tpu.memory_space<hbm>> -> memref<36000x2048xf32, #tpu.memory_space<hbm>>
    tpu.enqueue_indirect_dma source(%dma_start3A_439 : memref<36000x2048xf32, #tpu.memory_space<hbm>>) target(%dma_start3A_434 : memref<16x2048xf32, #tpu.memory_space<vmem>>) offsets(%dma_start3A_436 : memref<16xi32, #tpu.memory_space<vmem>>) semaphore(%arg8 : memref<!tpu.dma_semaphore, #tpu.memory_space<semaphore_mem>>)
    %dma_wait3A_440 = arith.constant 0 : i32
    %dma_wait3A_441 = arith.constant 0 : i32
    %dma_wait3A_442 = arith.constant 0 : i32
    %dma_wait3A_443 = tpu.memref_slice %arg6[%dma_wait3A_440, %dma_wait3A_441, %dma_wait3A_442] : memref<3x16x2048xf32, #tpu.memory_space<vmem>> -> memref<1x16x2048xf32, #tpu.memory_space<vmem>>
    %dma_wait3A_444 = tpu.memref_squeeze %dma_wait3A_443 : memref<1x16x2048xf32, #tpu.memory_space<vmem>> -> memref<16x2048xf32, #tpu.memory_space<vmem>>
    %dma_wait3A_445 = arith.constant 144 : i32
    %dma_wait3A_446 = tpu.memref_slice %arg5[%dma_wait3A_445] : memref<256xi32, #tpu.memory_space<vmem>> -> memref<16xi32, #tpu.memory_space<vmem>>
    %dma_wait3A_447 = arith.constant 0 : i32
    %dma_wait3A_448 = arith.constant 0 : i32
    %dma_wait3A_449 = tpu.memref_slice %arg3[%dma_wait3A_447, %dma_wait3A_448] : memref<36000x2048xf32, #tpu.memory_space<hbm>> -> memref<36000x2048xf32, #tpu.memory_space<hbm>>
    tpu.wait_indirect_dma semaphore(%arg7 : memref<!tpu.dma_semaphore, #tpu.memory_space<semaphore_mem>>) src(%dma_wait3A_449 : memref<36000x2048xf32, #tpu.memory_space<hbm>>) dst(%dma_wait3A_444 : memref<16x2048xf32, #tpu.memory_space<vmem>>)
    %add3A_450 = arith.constant 144 : i32
    %add3A_451 = arith.addi %mul3A_2, %add3A_450 : i32
    %dma_start3A_452 = arith.constant 0 : i32
    %dma_start3A_453 = arith.constant 0 : i32
    %dma_start3A_454 = arith.constant 0 : i32
    %dma_start3A_455 = tpu.memref_slice %arg6[%dma_start3A_452, %dma_start3A_453, %dma_start3A_454] : memref<3x16x2048xf32, #tpu.memory_space<vmem>> -> memref<1x16x2048xf32, #tpu.memory_space<vmem>>
    %dma_start3A_456 = tpu.memref_squeeze %dma_start3A_455 : memref<1x16x2048xf32, #tpu.memory_space<vmem>> -> memref<16x2048xf32, #tpu.memory_space<vmem>>
    %dma_start3A_457 = arith.constant 0 : i32
    %dma_start3A_458 = tpu.memref_slice %arg4[%add3A_451, %dma_start3A_457] : memref<8192x2048xf32, #tpu.memory_space<hbm>> -> memref<16x2048xf32, #tpu.memory_space<hbm>>
    %dma_start3A_459 = arith.constant 0 : i32
    %dma_start3A_460 = tpu.memref_slice %arg4[%add3A_451, %dma_start3A_459] : memref<8192x2048xf32, #tpu.memory_space<hbm>> -> memref<16x2048xf32, #tpu.memory_space<hbm>>
    %dma_start3A_461 = arith.constant 0 : i32
    %dma_start3A_462 = arith.constant 0 : i32
    %dma_start3A_463 = tpu.memref_slice %arg6[%dma_start3A_452, %dma_start3A_461, %dma_start3A_462] : memref<3x16x2048xf32, #tpu.memory_space<vmem>> -> memref<1x16x2048xf32, #tpu.memory_space<vmem>>
    %dma_start3A_464 = tpu.memref_squeeze %dma_start3A_463 : memref<1x16x2048xf32, #tpu.memory_space<vmem>> -> memref<16x2048xf32, #tpu.memory_space<vmem>>
    tpu.enqueue_dma source(%dma_start3A_464 : memref<16x2048xf32, #tpu.memory_space<vmem>>) target(%dma_start3A_460 : memref<16x2048xf32, #tpu.memory_space<hbm>>) target_semaphore(%arg10 : memref<!tpu.dma_semaphore, #tpu.memory_space<semaphore_mem>>)
    %dma_wait3A_465 = arith.constant 2 : i32
    %dma_wait3A_466 = arith.constant 0 : i32
    %dma_wait3A_467 = arith.constant 0 : i32
    %dma_wait3A_468 = tpu.memref_slice %arg6[%dma_wait3A_465, %dma_wait3A_466, %dma_wait3A_467] : memref<3x16x2048xf32, #tpu.memory_space<vmem>> -> memref<1x16x2048xf32, #tpu.memory_space<vmem>>
    %dma_wait3A_469 = tpu.memref_squeeze %dma_wait3A_468 : memref<1x16x2048xf32, #tpu.memory_space<vmem>> -> memref<16x2048xf32, #tpu.memory_space<vmem>>
    %dma_wait3A_470 = arith.constant 0 : i32
    %dma_wait3A_471 = tpu.memref_slice %arg4[%add3A_403, %dma_wait3A_470] : memref<8192x2048xf32, #tpu.memory_space<hbm>> -> memref<16x2048xf32, #tpu.memory_space<hbm>>
    %dma_wait3A_472 = arith.constant 0 : i32
    %dma_wait3A_473 = tpu.memref_slice %arg4[%add3A_403, %dma_wait3A_472] : memref<8192x2048xf32, #tpu.memory_space<hbm>> -> memref<16x2048xf32, #tpu.memory_space<hbm>>
    %dma_wait3A_474 = arith.constant 0 : i32
    %dma_wait3A_475 = arith.constant 0 : i32
    %dma_wait3A_476 = tpu.memref_slice %arg6[%dma_wait3A_465, %dma_wait3A_474, %dma_wait3A_475] : memref<3x16x2048xf32, #tpu.memory_space<vmem>> -> memref<1x16x2048xf32, #tpu.memory_space<vmem>>
    %dma_wait3A_477 = tpu.memref_squeeze %dma_wait3A_476 : memref<1x16x2048xf32, #tpu.memory_space<vmem>> -> memref<16x2048xf32, #tpu.memory_space<vmem>>
    tpu.wait_dma2 semaphore(%arg12 : memref<!tpu.dma_semaphore, #tpu.memory_space<semaphore_mem>>) src(%dma_wait3A_477 : memref<16x2048xf32, #tpu.memory_space<vmem>>) dst(%dma_wait3A_473 : memref<16x2048xf32, #tpu.memory_space<hbm>>)
    %dma_start3A_478 = arith.constant 2 : i32
    %dma_start3A_479 = arith.constant 0 : i32
    %dma_start3A_480 = arith.constant 0 : i32
    %dma_start3A_481 = tpu.memref_slice %arg6[%dma_start3A_478, %dma_start3A_479, %dma_start3A_480] : memref<3x16x2048xf32, #tpu.memory_space<vmem>> -> memref<1x16x2048xf32, #tpu.memory_space<vmem>>
    %dma_start3A_482 = tpu.memref_squeeze %dma_start3A_481 : memref<1x16x2048xf32, #tpu.memory_space<vmem>> -> memref<16x2048xf32, #tpu.memory_space<vmem>>
    %dma_start3A_483 = arith.constant 176 : i32
    %dma_start3A_484 = tpu.memref_slice %arg5[%dma_start3A_483] : memref<256xi32, #tpu.memory_space<vmem>> -> memref<16xi32, #tpu.memory_space<vmem>>
    %dma_start3A_485 = arith.constant 0 : i32
    %dma_start3A_486 = arith.constant 0 : i32
    %dma_start3A_487 = tpu.memref_slice %arg3[%dma_start3A_485, %dma_start3A_486] : memref<36000x2048xf32, #tpu.memory_space<hbm>> -> memref<36000x2048xf32, #tpu.memory_space<hbm>>
    tpu.enqueue_indirect_dma source(%dma_start3A_487 : memref<36000x2048xf32, #tpu.memory_space<hbm>>) target(%dma_start3A_482 : memref<16x2048xf32, #tpu.memory_space<vmem>>) offsets(%dma_start3A_484 : memref<16xi32, #tpu.memory_space<vmem>>) semaphore(%arg9 : memref<!tpu.dma_semaphore, #tpu.memory_space<semaphore_mem>>)
    %dma_wait3A_488 = arith.constant 1 : i32
    %dma_wait3A_489 = arith.constant 0 : i32
    %dma_wait3A_490 = arith.constant 0 : i32
    %dma_wait3A_491 = tpu.memref_slice %arg6[%dma_wait3A_488, %dma_wait3A_489, %dma_wait3A_490] : memref<3x16x2048xf32, #tpu.memory_space<vmem>> -> memref<1x16x2048xf32, #tpu.memory_space<vmem>>
    %dma_wait3A_492 = tpu.memref_squeeze %dma_wait3A_491 : memref<1x16x2048xf32, #tpu.memory_space<vmem>> -> memref<16x2048xf32, #tpu.memory_space<vmem>>
    %dma_wait3A_493 = arith.constant 160 : i32
    %dma_wait3A_494 = tpu.memref_slice %arg5[%dma_wait3A_493] : memref<256xi32, #tpu.memory_space<vmem>> -> memref<16xi32, #tpu.memory_space<vmem>>
    %dma_wait3A_495 = arith.constant 0 : i32
    %dma_wait3A_496 = arith.constant 0 : i32
    %dma_wait3A_497 = tpu.memref_slice %arg3[%dma_wait3A_495, %dma_wait3A_496] : memref<36000x2048xf32, #tpu.memory_space<hbm>> -> memref<36000x2048xf32, #tpu.memory_space<hbm>>
    tpu.wait_indirect_dma semaphore(%arg8 : memref<!tpu.dma_semaphore, #tpu.memory_space<semaphore_mem>>) src(%dma_wait3A_497 : memref<36000x2048xf32, #tpu.memory_space<hbm>>) dst(%dma_wait3A_492 : memref<16x2048xf32, #tpu.memory_space<vmem>>)
    %add3A_498 = arith.constant 160 : i32
    %add3A_499 = arith.addi %mul3A_2, %add3A_498 : i32
    %dma_start3A_500 = arith.constant 1 : i32
    %dma_start3A_501 = arith.constant 0 : i32
    %dma_start3A_502 = arith.constant 0 : i32
    %dma_start3A_503 = tpu.memref_slice %arg6[%dma_start3A_500, %dma_start3A_501, %dma_start3A_502] : memref<3x16x2048xf32, #tpu.memory_space<vmem>> -> memref<1x16x2048xf32, #tpu.memory_space<vmem>>
    %dma_start3A_504 = tpu.memref_squeeze %dma_start3A_503 : memref<1x16x2048xf32, #tpu.memory_space<vmem>> -> memref<16x2048xf32, #tpu.memory_space<vmem>>
    %dma_start3A_505 = arith.constant 0 : i32
    %dma_start3A_506 = tpu.memref_slice %arg4[%add3A_499, %dma_start3A_505] : memref<8192x2048xf32, #tpu.memory_space<hbm>> -> memref<16x2048xf32, #tpu.memory_space<hbm>>
    %dma_start3A_507 = arith.constant 0 : i32
    %dma_start3A_508 = tpu.memref_slice %arg4[%add3A_499, %dma_start3A_507] : memref<8192x2048xf32, #tpu.memory_space<hbm>> -> memref<16x2048xf32, #tpu.memory_space<hbm>>
    %dma_start3A_509 = arith.constant 0 : i32
    %dma_start3A_510 = arith.constant 0 : i32
    %dma_start3A_511 = tpu.memref_slice %arg6[%dma_start3A_500, %dma_start3A_509, %dma_start3A_510] : memref<3x16x2048xf32, #tpu.memory_space<vmem>> -> memref<1x16x2048xf32, #tpu.memory_space<vmem>>
    %dma_start3A_512 = tpu.memref_squeeze %dma_start3A_511 : memref<1x16x2048xf32, #tpu.memory_space<vmem>> -> memref<16x2048xf32, #tpu.memory_space<vmem>>
    tpu.enqueue_dma source(%dma_start3A_512 : memref<16x2048xf32, #tpu.memory_space<vmem>>) target(%dma_start3A_508 : memref<16x2048xf32, #tpu.memory_space<hbm>>) target_semaphore(%arg11 : memref<!tpu.dma_semaphore, #tpu.memory_space<semaphore_mem>>)
    %dma_wait3A_513 = arith.constant 0 : i32
    %dma_wait3A_514 = arith.constant 0 : i32
    %dma_wait3A_515 = arith.constant 0 : i32
    %dma_wait3A_516 = tpu.memref_slice %arg6[%dma_wait3A_513, %dma_wait3A_514, %dma_wait3A_515] : memref<3x16x2048xf32, #tpu.memory_space<vmem>> -> memref<1x16x2048xf32, #tpu.memory_space<vmem>>
    %dma_wait3A_517 = tpu.memref_squeeze %dma_wait3A_516 : memref<1x16x2048xf32, #tpu.memory_space<vmem>> -> memref<16x2048xf32, #tpu.memory_space<vmem>>
    %dma_wait3A_518 = arith.constant 0 : i32
    %dma_wait3A_519 = tpu.memref_slice %arg4[%add3A_451, %dma_wait3A_518] : memref<8192x2048xf32, #tpu.memory_space<hbm>> -> memref<16x2048xf32, #tpu.memory_space<hbm>>
    %dma_wait3A_520 = arith.constant 0 : i32
    %dma_wait3A_521 = tpu.memref_slice %arg4[%add3A_451, %dma_wait3A_520] : memref<8192x2048xf32, #tpu.memory_space<hbm>> -> memref<16x2048xf32, #tpu.memory_space<hbm>>
    %dma_wait3A_522 = arith.constant 0 : i32
    %dma_wait3A_523 = arith.constant 0 : i32
    %dma_wait3A_524 = tpu.memref_slice %arg6[%dma_wait3A_513, %dma_wait3A_522, %dma_wait3A_523] : memref<3x16x2048xf32, #tpu.memory_space<vmem>> -> memref<1x16x2048xf32, #tpu.memory_space<vmem>>
    %dma_wait3A_525 = tpu.memref_squeeze %dma_wait3A_524 : memref<1x16x2048xf32, #tpu.memory_space<vmem>> -> memref<16x2048xf32, #tpu.memory_space<vmem>>
    tpu.wait_dma2 semaphore(%arg10 : memref<!tpu.dma_semaphore, #tpu.memory_space<semaphore_mem>>) src(%dma_wait3A_525 : memref<16x2048xf32, #tpu.memory_space<vmem>>) dst(%dma_wait3A_521 : memref<16x2048xf32, #tpu.memory_space<hbm>>)
    %dma_start3A_526 = arith.constant 0 : i32
    %dma_start3A_527 = arith.constant 0 : i32
    %dma_start3A_528 = arith.constant 0 : i32
    %dma_start3A_529 = tpu.memref_slice %arg6[%dma_start3A_526, %dma_start3A_527, %dma_start3A_528] : memref<3x16x2048xf32, #tpu.memory_space<vmem>> -> memref<1x16x2048xf32, #tpu.memory_space<vmem>>
    %dma_start3A_530 = tpu.memref_squeeze %dma_start3A_529 : memref<1x16x2048xf32, #tpu.memory_space<vmem>> -> memref<16x2048xf32, #tpu.memory_space<vmem>>
    %dma_start3A_531 = arith.constant 192 : i32
    %dma_start3A_532 = tpu.memref_slice %arg5[%dma_start3A_531] : memref<256xi32, #tpu.memory_space<vmem>> -> memref<16xi32, #tpu.memory_space<vmem>>
    %dma_start3A_533 = arith.constant 0 : i32
    %dma_start3A_534 = arith.constant 0 : i32
    %dma_start3A_535 = tpu.memref_slice %arg3[%dma_start3A_533, %dma_start3A_534] : memref<36000x2048xf32, #tpu.memory_space<hbm>> -> memref<36000x2048xf32, #tpu.memory_space<hbm>>
    tpu.enqueue_indirect_dma source(%dma_start3A_535 : memref<36000x2048xf32, #tpu.memory_space<hbm>>) target(%dma_start3A_530 : memref<16x2048xf32, #tpu.memory_space<vmem>>) offsets(%dma_start3A_532 : memref<16xi32, #tpu.memory_space<vmem>>) semaphore(%arg7 : memref<!tpu.dma_semaphore, #tpu.memory_space<semaphore_mem>>)
    %dma_wait3A_536 = arith.constant 2 : i32
    %dma_wait3A_537 = arith.constant 0 : i32
    %dma_wait3A_538 = arith.constant 0 : i32
    %dma_wait3A_539 = tpu.memref_slice %arg6[%dma_wait3A_536, %dma_wait3A_537, %dma_wait3A_538] : memref<3x16x2048xf32, #tpu.memory_space<vmem>> -> memref<1x16x2048xf32, #tpu.memory_space<vmem>>
    %dma_wait3A_540 = tpu.memref_squeeze %dma_wait3A_539 : memref<1x16x2048xf32, #tpu.memory_space<vmem>> -> memref<16x2048xf32, #tpu.memory_space<vmem>>
    %dma_wait3A_541 = arith.constant 176 : i32
    %dma_wait3A_542 = tpu.memref_slice %arg5[%dma_wait3A_541] : memref<256xi32, #tpu.memory_space<vmem>> -> memref<16xi32, #tpu.memory_space<vmem>>
    %dma_wait3A_543 = arith.constant 0 : i32
    %dma_wait3A_544 = arith.constant 0 : i32
    %dma_wait3A_545 = tpu.memref_slice %arg3[%dma_wait3A_543, %dma_wait3A_544] : memref<36000x2048xf32, #tpu.memory_space<hbm>> -> memref<36000x2048xf32, #tpu.memory_space<hbm>>
    tpu.wait_indirect_dma semaphore(%arg9 : memref<!tpu.dma_semaphore, #tpu.memory_space<semaphore_mem>>) src(%dma_wait3A_545 : memref<36000x2048xf32, #tpu.memory_space<hbm>>) dst(%dma_wait3A_540 : memref<16x2048xf32, #tpu.memory_space<vmem>>)
    %add3A_546 = arith.constant 176 : i32
    %add3A_547 = arith.addi %mul3A_2, %add3A_546 : i32
    %dma_start3A_548 = arith.constant 2 : i32
    %dma_start3A_549 = arith.constant 0 : i32
    %dma_start3A_550 = arith.constant 0 : i32
    %dma_start3A_551 = tpu.memref_slice %arg6[%dma_start3A_548, %dma_start3A_549, %dma_start3A_550] : memref<3x16x2048xf32, #tpu.memory_space<vmem>> -> memref<1x16x2048xf32, #tpu.memory_space<vmem>>
    %dma_start3A_552 = tpu.memref_squeeze %dma_start3A_551 : memref<1x16x2048xf32, #tpu.memory_space<vmem>> -> memref<16x2048xf32, #tpu.memory_space<vmem>>
    %dma_start3A_553 = arith.constant 0 : i32
    %dma_start3A_554 = tpu.memref_slice %arg4[%add3A_547, %dma_start3A_553] : memref<8192x2048xf32, #tpu.memory_space<hbm>> -> memref<16x2048xf32, #tpu.memory_space<hbm>>
    %dma_start3A_555 = arith.constant 0 : i32
    %dma_start3A_556 = tpu.memref_slice %arg4[%add3A_547, %dma_start3A_555] : memref<8192x2048xf32, #tpu.memory_space<hbm>> -> memref<16x2048xf32, #tpu.memory_space<hbm>>
    %dma_start3A_557 = arith.constant 0 : i32
    %dma_start3A_558 = arith.constant 0 : i32
    %dma_start3A_559 = tpu.memref_slice %arg6[%dma_start3A_548, %dma_start3A_557, %dma_start3A_558] : memref<3x16x2048xf32, #tpu.memory_space<vmem>> -> memref<1x16x2048xf32, #tpu.memory_space<vmem>>
    %dma_start3A_560 = tpu.memref_squeeze %dma_start3A_559 : memref<1x16x2048xf32, #tpu.memory_space<vmem>> -> memref<16x2048xf32, #tpu.memory_space<vmem>>
    tpu.enqueue_dma source(%dma_start3A_560 : memref<16x2048xf32, #tpu.memory_space<vmem>>) target(%dma_start3A_556 : memref<16x2048xf32, #tpu.memory_space<hbm>>) target_semaphore(%arg12 : memref<!tpu.dma_semaphore, #tpu.memory_space<semaphore_mem>>)
    %dma_wait3A_561 = arith.constant 1 : i32
    %dma_wait3A_562 = arith.constant 0 : i32
    %dma_wait3A_563 = arith.constant 0 : i32
    %dma_wait3A_564 = tpu.memref_slice %arg6[%dma_wait3A_561, %dma_wait3A_562, %dma_wait3A_563] : memref<3x16x2048xf32, #tpu.memory_space<vmem>> -> memref<1x16x2048xf32, #tpu.memory_space<vmem>>
    %dma_wait3A_565 = tpu.memref_squeeze %dma_wait3A_564 : memref<1x16x2048xf32, #tpu.memory_space<vmem>> -> memref<16x2048xf32, #tpu.memory_space<vmem>>
    %dma_wait3A_566 = arith.constant 0 : i32
    %dma_wait3A_567 = tpu.memref_slice %arg4[%add3A_499, %dma_wait3A_566] : memref<8192x2048xf32, #tpu.memory_space<hbm>> -> memref<16x2048xf32, #tpu.memory_space<hbm>>
    %dma_wait3A_568 = arith.constant 0 : i32
    %dma_wait3A_569 = tpu.memref_slice %arg4[%add3A_499, %dma_wait3A_568] : memref<8192x2048xf32, #tpu.memory_space<hbm>> -> memref<16x2048xf32, #tpu.memory_space<hbm>>
    %dma_wait3A_570 = arith.constant 0 : i32
    %dma_wait3A_571 = arith.constant 0 : i32
    %dma_wait3A_572 = tpu.memref_slice %arg6[%dma_wait3A_561, %dma_wait3A_570, %dma_wait3A_571] : memref<3x16x2048xf32, #tpu.memory_space<vmem>> -> memref<1x16x2048xf32, #tpu.memory_space<vmem>>
    %dma_wait3A_573 = tpu.memref_squeeze %dma_wait3A_572 : memref<1x16x2048xf32, #tpu.memory_space<vmem>> -> memref<16x2048xf32, #tpu.memory_space<vmem>>
    tpu.wait_dma2 semaphore(%arg11 : memref<!tpu.dma_semaphore, #tpu.memory_space<semaphore_mem>>) src(%dma_wait3A_573 : memref<16x2048xf32, #tpu.memory_space<vmem>>) dst(%dma_wait3A_569 : memref<16x2048xf32, #tpu.memory_space<hbm>>)
    %dma_start3A_574 = arith.constant 1 : i32
    %dma_start3A_575 = arith.constant 0 : i32
    %dma_start3A_576 = arith.constant 0 : i32
    %dma_start3A_577 = tpu.memref_slice %arg6[%dma_start3A_574, %dma_start3A_575, %dma_start3A_576] : memref<3x16x2048xf32, #tpu.memory_space<vmem>> -> memref<1x16x2048xf32, #tpu.memory_space<vmem>>
    %dma_start3A_578 = tpu.memref_squeeze %dma_start3A_577 : memref<1x16x2048xf32, #tpu.memory_space<vmem>> -> memref<16x2048xf32, #tpu.memory_space<vmem>>
    %dma_start3A_579 = arith.constant 208 : i32
    %dma_start3A_580 = tpu.memref_slice %arg5[%dma_start3A_579] : memref<256xi32, #tpu.memory_space<vmem>> -> memref<16xi32, #tpu.memory_space<vmem>>
    %dma_start3A_581 = arith.constant 0 : i32
    %dma_start3A_582 = arith.constant 0 : i32
    %dma_start3A_583 = tpu.memref_slice %arg3[%dma_start3A_581, %dma_start3A_582] : memref<36000x2048xf32, #tpu.memory_space<hbm>> -> memref<36000x2048xf32, #tpu.memory_space<hbm>>
    tpu.enqueue_indirect_dma source(%dma_start3A_583 : memref<36000x2048xf32, #tpu.memory_space<hbm>>) target(%dma_start3A_578 : memref<16x2048xf32, #tpu.memory_space<vmem>>) offsets(%dma_start3A_580 : memref<16xi32, #tpu.memory_space<vmem>>) semaphore(%arg8 : memref<!tpu.dma_semaphore, #tpu.memory_space<semaphore_mem>>)
    %dma_wait3A_584 = arith.constant 0 : i32
    %dma_wait3A_585 = arith.constant 0 : i32
    %dma_wait3A_586 = arith.constant 0 : i32
    %dma_wait3A_587 = tpu.memref_slice %arg6[%dma_wait3A_584, %dma_wait3A_585, %dma_wait3A_586] : memref<3x16x2048xf32, #tpu.memory_space<vmem>> -> memref<1x16x2048xf32, #tpu.memory_space<vmem>>
    %dma_wait3A_588 = tpu.memref_squeeze %dma_wait3A_587 : memref<1x16x2048xf32, #tpu.memory_space<vmem>> -> memref<16x2048xf32, #tpu.memory_space<vmem>>
    %dma_wait3A_589 = arith.constant 192 : i32
    %dma_wait3A_590 = tpu.memref_slice %arg5[%dma_wait3A_589] : memref<256xi32, #tpu.memory_space<vmem>> -> memref<16xi32, #tpu.memory_space<vmem>>
    %dma_wait3A_591 = arith.constant 0 : i32
    %dma_wait3A_592 = arith.constant 0 : i32
    %dma_wait3A_593 = tpu.memref_slice %arg3[%dma_wait3A_591, %dma_wait3A_592] : memref<36000x2048xf32, #tpu.memory_space<hbm>> -> memref<36000x2048xf32, #tpu.memory_space<hbm>>
    tpu.wait_indirect_dma semaphore(%arg7 : memref<!tpu.dma_semaphore, #tpu.memory_space<semaphore_mem>>) src(%dma_wait3A_593 : memref<36000x2048xf32, #tpu.memory_space<hbm>>) dst(%dma_wait3A_588 : memref<16x2048xf32, #tpu.memory_space<vmem>>)
    %add3A_594 = arith.constant 192 : i32
    %add3A_595 = arith.addi %mul3A_2, %add3A_594 : i32
    %dma_start3A_596 = arith.constant 0 : i32
    %dma_start3A_597 = arith.constant 0 : i32
    %dma_start3A_598 = arith.constant 0 : i32
    %dma_start3A_599 = tpu.memref_slice %arg6[%dma_start3A_596, %dma_start3A_597, %dma_start3A_598] : memref<3x16x2048xf32, #tpu.memory_space<vmem>> -> memref<1x16x2048xf32, #tpu.memory_space<vmem>>
    %dma_start3A_600 = tpu.memref_squeeze %dma_start3A_599 : memref<1x16x2048xf32, #tpu.memory_space<vmem>> -> memref<16x2048xf32, #tpu.memory_space<vmem>>
    %dma_start3A_601 = arith.constant 0 : i32
    %dma_start3A_602 = tpu.memref_slice %arg4[%add3A_595, %dma_start3A_601] : memref<8192x2048xf32, #tpu.memory_space<hbm>> -> memref<16x2048xf32, #tpu.memory_space<hbm>>
    %dma_start3A_603 = arith.constant 0 : i32
    %dma_start3A_604 = tpu.memref_slice %arg4[%add3A_595, %dma_start3A_603] : memref<8192x2048xf32, #tpu.memory_space<hbm>> -> memref<16x2048xf32, #tpu.memory_space<hbm>>
    %dma_start3A_605 = arith.constant 0 : i32
    %dma_start3A_606 = arith.constant 0 : i32
    %dma_start3A_607 = tpu.memref_slice %arg6[%dma_start3A_596, %dma_start3A_605, %dma_start3A_606] : memref<3x16x2048xf32, #tpu.memory_space<vmem>> -> memref<1x16x2048xf32, #tpu.memory_space<vmem>>
    %dma_start3A_608 = tpu.memref_squeeze %dma_start3A_607 : memref<1x16x2048xf32, #tpu.memory_space<vmem>> -> memref<16x2048xf32, #tpu.memory_space<vmem>>
    tpu.enqueue_dma source(%dma_start3A_608 : memref<16x2048xf32, #tpu.memory_space<vmem>>) target(%dma_start3A_604 : memref<16x2048xf32, #tpu.memory_space<hbm>>) target_semaphore(%arg10 : memref<!tpu.dma_semaphore, #tpu.memory_space<semaphore_mem>>)
    %dma_wait3A_609 = arith.constant 2 : i32
    %dma_wait3A_610 = arith.constant 0 : i32
    %dma_wait3A_611 = arith.constant 0 : i32
    %dma_wait3A_612 = tpu.memref_slice %arg6[%dma_wait3A_609, %dma_wait3A_610, %dma_wait3A_611] : memref<3x16x2048xf32, #tpu.memory_space<vmem>> -> memref<1x16x2048xf32, #tpu.memory_space<vmem>>
    %dma_wait3A_613 = tpu.memref_squeeze %dma_wait3A_612 : memref<1x16x2048xf32, #tpu.memory_space<vmem>> -> memref<16x2048xf32, #tpu.memory_space<vmem>>
    %dma_wait3A_614 = arith.constant 0 : i32
    %dma_wait3A_615 = tpu.memref_slice %arg4[%add3A_547, %dma_wait3A_614] : memref<8192x2048xf32, #tpu.memory_space<hbm>> -> memref<16x2048xf32, #tpu.memory_space<hbm>>
    %dma_wait3A_616 = arith.constant 0 : i32
    %dma_wait3A_617 = tpu.memref_slice %arg4[%add3A_547, %dma_wait3A_616] : memref<8192x2048xf32, #tpu.memory_space<hbm>> -> memref<16x2048xf32, #tpu.memory_space<hbm>>
    %dma_wait3A_618 = arith.constant 0 : i32
    %dma_wait3A_619 = arith.constant 0 : i32
    %dma_wait3A_620 = tpu.memref_slice %arg6[%dma_wait3A_609, %dma_wait3A_618, %dma_wait3A_619] : memref<3x16x2048xf32, #tpu.memory_space<vmem>> -> memref<1x16x2048xf32, #tpu.memory_space<vmem>>
    %dma_wait3A_621 = tpu.memref_squeeze %dma_wait3A_620 : memref<1x16x2048xf32, #tpu.memory_space<vmem>> -> memref<16x2048xf32, #tpu.memory_space<vmem>>
    tpu.wait_dma2 semaphore(%arg12 : memref<!tpu.dma_semaphore, #tpu.memory_space<semaphore_mem>>) src(%dma_wait3A_621 : memref<16x2048xf32, #tpu.memory_space<vmem>>) dst(%dma_wait3A_617 : memref<16x2048xf32, #tpu.memory_space<hbm>>)
    %dma_start3A_622 = arith.constant 2 : i32
    %dma_start3A_623 = arith.constant 0 : i32
    %dma_start3A_624 = arith.constant 0 : i32
    %dma_start3A_625 = tpu.memref_slice %arg6[%dma_start3A_622, %dma_start3A_623, %dma_start3A_624] : memref<3x16x2048xf32, #tpu.memory_space<vmem>> -> memref<1x16x2048xf32, #tpu.memory_space<vmem>>
    %dma_start3A_626 = tpu.memref_squeeze %dma_start3A_625 : memref<1x16x2048xf32, #tpu.memory_space<vmem>> -> memref<16x2048xf32, #tpu.memory_space<vmem>>
    %dma_start3A_627 = arith.constant 224 : i32
    %dma_start3A_628 = tpu.memref_slice %arg5[%dma_start3A_627] : memref<256xi32, #tpu.memory_space<vmem>> -> memref<16xi32, #tpu.memory_space<vmem>>
    %dma_start3A_629 = arith.constant 0 : i32
    %dma_start3A_630 = arith.constant 0 : i32
    %dma_start3A_631 = tpu.memref_slice %arg3[%dma_start3A_629, %dma_start3A_630] : memref<36000x2048xf32, #tpu.memory_space<hbm>> -> memref<36000x2048xf32, #tpu.memory_space<hbm>>
    tpu.enqueue_indirect_dma source(%dma_start3A_631 : memref<36000x2048xf32, #tpu.memory_space<hbm>>) target(%dma_start3A_626 : memref<16x2048xf32, #tpu.memory_space<vmem>>) offsets(%dma_start3A_628 : memref<16xi32, #tpu.memory_space<vmem>>) semaphore(%arg9 : memref<!tpu.dma_semaphore, #tpu.memory_space<semaphore_mem>>)
    %dma_wait3A_632 = arith.constant 1 : i32
    %dma_wait3A_633 = arith.constant 0 : i32
    %dma_wait3A_634 = arith.constant 0 : i32
    %dma_wait3A_635 = tpu.memref_slice %arg6[%dma_wait3A_632, %dma_wait3A_633, %dma_wait3A_634] : memref<3x16x2048xf32, #tpu.memory_space<vmem>> -> memref<1x16x2048xf32, #tpu.memory_space<vmem>>
    %dma_wait3A_636 = tpu.memref_squeeze %dma_wait3A_635 : memref<1x16x2048xf32, #tpu.memory_space<vmem>> -> memref<16x2048xf32, #tpu.memory_space<vmem>>
    %dma_wait3A_637 = arith.constant 208 : i32
    %dma_wait3A_638 = tpu.memref_slice %arg5[%dma_wait3A_637] : memref<256xi32, #tpu.memory_space<vmem>> -> memref<16xi32, #tpu.memory_space<vmem>>
    %dma_wait3A_639 = arith.constant 0 : i32
    %dma_wait3A_640 = arith.constant 0 : i32
    %dma_wait3A_641 = tpu.memref_slice %arg3[%dma_wait3A_639, %dma_wait3A_640] : memref<36000x2048xf32, #tpu.memory_space<hbm>> -> memref<36000x2048xf32, #tpu.memory_space<hbm>>
    tpu.wait_indirect_dma semaphore(%arg8 : memref<!tpu.dma_semaphore, #tpu.memory_space<semaphore_mem>>) src(%dma_wait3A_641 : memref<36000x2048xf32, #tpu.memory_space<hbm>>) dst(%dma_wait3A_636 : memref<16x2048xf32, #tpu.memory_space<vmem>>)
    %add3A_642 = arith.constant 208 : i32
    %add3A_643 = arith.addi %mul3A_2, %add3A_642 : i32
    %dma_start3A_644 = arith.constant 1 : i32
    %dma_start3A_645 = arith.constant 0 : i32
    %dma_start3A_646 = arith.constant 0 : i32
    %dma_start3A_647 = tpu.memref_slice %arg6[%dma_start3A_644, %dma_start3A_645, %dma_start3A_646] : memref<3x16x2048xf32, #tpu.memory_space<vmem>> -> memref<1x16x2048xf32, #tpu.memory_space<vmem>>
    %dma_start3A_648 = tpu.memref_squeeze %dma_start3A_647 : memref<1x16x2048xf32, #tpu.memory_space<vmem>> -> memref<16x2048xf32, #tpu.memory_space<vmem>>
    %dma_start3A_649 = arith.constant 0 : i32
    %dma_start3A_650 = tpu.memref_slice %arg4[%add3A_643, %dma_start3A_649] : memref<8192x2048xf32, #tpu.memory_space<hbm>> -> memref<16x2048xf32, #tpu.memory_space<hbm>>
    %dma_start3A_651 = arith.constant 0 : i32
    %dma_start3A_652 = tpu.memref_slice %arg4[%add3A_643, %dma_start3A_651] : memref<8192x2048xf32, #tpu.memory_space<hbm>> -> memref<16x2048xf32, #tpu.memory_space<hbm>>
    %dma_start3A_653 = arith.constant 0 : i32
    %dma_start3A_654 = arith.constant 0 : i32
    %dma_start3A_655 = tpu.memref_slice %arg6[%dma_start3A_644, %dma_start3A_653, %dma_start3A_654] : memref<3x16x2048xf32, #tpu.memory_space<vmem>> -> memref<1x16x2048xf32, #tpu.memory_space<vmem>>
    %dma_start3A_656 = tpu.memref_squeeze %dma_start3A_655 : memref<1x16x2048xf32, #tpu.memory_space<vmem>> -> memref<16x2048xf32, #tpu.memory_space<vmem>>
    tpu.enqueue_dma source(%dma_start3A_656 : memref<16x2048xf32, #tpu.memory_space<vmem>>) target(%dma_start3A_652 : memref<16x2048xf32, #tpu.memory_space<hbm>>) target_semaphore(%arg11 : memref<!tpu.dma_semaphore, #tpu.memory_space<semaphore_mem>>)
    %dma_wait3A_657 = arith.constant 0 : i32
    %dma_wait3A_658 = arith.constant 0 : i32
    %dma_wait3A_659 = arith.constant 0 : i32
    %dma_wait3A_660 = tpu.memref_slice %arg6[%dma_wait3A_657, %dma_wait3A_658, %dma_wait3A_659] : memref<3x16x2048xf32, #tpu.memory_space<vmem>> -> memref<1x16x2048xf32, #tpu.memory_space<vmem>>
    %dma_wait3A_661 = tpu.memref_squeeze %dma_wait3A_660 : memref<1x16x2048xf32, #tpu.memory_space<vmem>> -> memref<16x2048xf32, #tpu.memory_space<vmem>>
    %dma_wait3A_662 = arith.constant 0 : i32
    %dma_wait3A_663 = tpu.memref_slice %arg4[%add3A_595, %dma_wait3A_662] : memref<8192x2048xf32, #tpu.memory_space<hbm>> -> memref<16x2048xf32, #tpu.memory_space<hbm>>
    %dma_wait3A_664 = arith.constant 0 : i32
    %dma_wait3A_665 = tpu.memref_slice %arg4[%add3A_595, %dma_wait3A_664] : memref<8192x2048xf32, #tpu.memory_space<hbm>> -> memref<16x2048xf32, #tpu.memory_space<hbm>>
    %dma_wait3A_666 = arith.constant 0 : i32
    %dma_wait3A_667 = arith.constant 0 : i32
    %dma_wait3A_668 = tpu.memref_slice %arg6[%dma_wait3A_657, %dma_wait3A_666, %dma_wait3A_667] : memref<3x16x2048xf32, #tpu.memory_space<vmem>> -> memref<1x16x2048xf32, #tpu.memory_space<vmem>>
    %dma_wait3A_669 = tpu.memref_squeeze %dma_wait3A_668 : memref<1x16x2048xf32, #tpu.memory_space<vmem>> -> memref<16x2048xf32, #tpu.memory_space<vmem>>
    tpu.wait_dma2 semaphore(%arg10 : memref<!tpu.dma_semaphore, #tpu.memory_space<semaphore_mem>>) src(%dma_wait3A_669 : memref<16x2048xf32, #tpu.memory_space<vmem>>) dst(%dma_wait3A_665 : memref<16x2048xf32, #tpu.memory_space<hbm>>)
    %dma_start3A_670 = arith.constant 0 : i32
    %dma_start3A_671 = arith.constant 0 : i32
    %dma_start3A_672 = arith.constant 0 : i32
    %dma_start3A_673 = tpu.memref_slice %arg6[%dma_start3A_670, %dma_start3A_671, %dma_start3A_672] : memref<3x16x2048xf32, #tpu.memory_space<vmem>> -> memref<1x16x2048xf32, #tpu.memory_space<vmem>>
    %dma_start3A_674 = tpu.memref_squeeze %dma_start3A_673 : memref<1x16x2048xf32, #tpu.memory_space<vmem>> -> memref<16x2048xf32, #tpu.memory_space<vmem>>
    %dma_start3A_675 = arith.constant 240 : i32
    %dma_start3A_676 = tpu.memref_slice %arg5[%dma_start3A_675] : memref<256xi32, #tpu.memory_space<vmem>> -> memref<16xi32, #tpu.memory_space<vmem>>
    %dma_start3A_677 = arith.constant 0 : i32
    %dma_start3A_678 = arith.constant 0 : i32
    %dma_start3A_679 = tpu.memref_slice %arg3[%dma_start3A_677, %dma_start3A_678] : memref<36000x2048xf32, #tpu.memory_space<hbm>> -> memref<36000x2048xf32, #tpu.memory_space<hbm>>
    tpu.enqueue_indirect_dma source(%dma_start3A_679 : memref<36000x2048xf32, #tpu.memory_space<hbm>>) target(%dma_start3A_674 : memref<16x2048xf32, #tpu.memory_space<vmem>>) offsets(%dma_start3A_676 : memref<16xi32, #tpu.memory_space<vmem>>) semaphore(%arg7 : memref<!tpu.dma_semaphore, #tpu.memory_space<semaphore_mem>>)
    %dma_wait3A_680 = arith.constant 2 : i32
    %dma_wait3A_681 = arith.constant 0 : i32
    %dma_wait3A_682 = arith.constant 0 : i32
    %dma_wait3A_683 = tpu.memref_slice %arg6[%dma_wait3A_680, %dma_wait3A_681, %dma_wait3A_682] : memref<3x16x2048xf32, #tpu.memory_space<vmem>> -> memref<1x16x2048xf32, #tpu.memory_space<vmem>>
    %dma_wait3A_684 = tpu.memref_squeeze %dma_wait3A_683 : memref<1x16x2048xf32, #tpu.memory_space<vmem>> -> memref<16x2048xf32, #tpu.memory_space<vmem>>
    %dma_wait3A_685 = arith.constant 224 : i32
    %dma_wait3A_686 = tpu.memref_slice %arg5[%dma_wait3A_685] : memref<256xi32, #tpu.memory_space<vmem>> -> memref<16xi32, #tpu.memory_space<vmem>>
    %dma_wait3A_687 = arith.constant 0 : i32
    %dma_wait3A_688 = arith.constant 0 : i32
    %dma_wait3A_689 = tpu.memref_slice %arg3[%dma_wait3A_687, %dma_wait3A_688] : memref<36000x2048xf32, #tpu.memory_space<hbm>> -> memref<36000x2048xf32, #tpu.memory_space<hbm>>
    tpu.wait_indirect_dma semaphore(%arg9 : memref<!tpu.dma_semaphore, #tpu.memory_space<semaphore_mem>>) src(%dma_wait3A_689 : memref<36000x2048xf32, #tpu.memory_space<hbm>>) dst(%dma_wait3A_684 : memref<16x2048xf32, #tpu.memory_space<vmem>>)
    %add3A_690 = arith.constant 224 : i32
    %add3A_691 = arith.addi %mul3A_2, %add3A_690 : i32
    %dma_start3A_692 = arith.constant 2 : i32
    %dma_start3A_693 = arith.constant 0 : i32
    %dma_start3A_694 = arith.constant 0 : i32
    %dma_start3A_695 = tpu.memref_slice %arg6[%dma_start3A_692, %dma_start3A_693, %dma_start3A_694] : memref<3x16x2048xf32, #tpu.memory_space<vmem>> -> memref<1x16x2048xf32, #tpu.memory_space<vmem>>
    %dma_start3A_696 = tpu.memref_squeeze %dma_start3A_695 : memref<1x16x2048xf32, #tpu.memory_space<vmem>> -> memref<16x2048xf32, #tpu.memory_space<vmem>>
    %dma_start3A_697 = arith.constant 0 : i32
    %dma_start3A_698 = tpu.memref_slice %arg4[%add3A_691, %dma_start3A_697] : memref<8192x2048xf32, #tpu.memory_space<hbm>> -> memref<16x2048xf32, #tpu.memory_space<hbm>>
    %dma_start3A_699 = arith.constant 0 : i32
    %dma_start3A_700 = tpu.memref_slice %arg4[%add3A_691, %dma_start3A_699] : memref<8192x2048xf32, #tpu.memory_space<hbm>> -> memref<16x2048xf32, #tpu.memory_space<hbm>>
    %dma_start3A_701 = arith.constant 0 : i32
    %dma_start3A_702 = arith.constant 0 : i32
    %dma_start3A_703 = tpu.memref_slice %arg6[%dma_start3A_692, %dma_start3A_701, %dma_start3A_702] : memref<3x16x2048xf32, #tpu.memory_space<vmem>> -> memref<1x16x2048xf32, #tpu.memory_space<vmem>>
    %dma_start3A_704 = tpu.memref_squeeze %dma_start3A_703 : memref<1x16x2048xf32, #tpu.memory_space<vmem>> -> memref<16x2048xf32, #tpu.memory_space<vmem>>
    tpu.enqueue_dma source(%dma_start3A_704 : memref<16x2048xf32, #tpu.memory_space<vmem>>) target(%dma_start3A_700 : memref<16x2048xf32, #tpu.memory_space<hbm>>) target_semaphore(%arg12 : memref<!tpu.dma_semaphore, #tpu.memory_space<semaphore_mem>>)
    %dma_wait3A_705 = arith.constant 0 : i32
    %dma_wait3A_706 = arith.constant 0 : i32
    %dma_wait3A_707 = arith.constant 0 : i32
    %dma_wait3A_708 = tpu.memref_slice %arg6[%dma_wait3A_705, %dma_wait3A_706, %dma_wait3A_707] : memref<3x16x2048xf32, #tpu.memory_space<vmem>> -> memref<1x16x2048xf32, #tpu.memory_space<vmem>>
    %dma_wait3A_709 = tpu.memref_squeeze %dma_wait3A_708 : memref<1x16x2048xf32, #tpu.memory_space<vmem>> -> memref<16x2048xf32, #tpu.memory_space<vmem>>
    %dma_wait3A_710 = arith.constant 240 : i32
    %dma_wait3A_711 = tpu.memref_slice %arg5[%dma_wait3A_710] : memref<256xi32, #tpu.memory_space<vmem>> -> memref<16xi32, #tpu.memory_space<vmem>>
    %dma_wait3A_712 = arith.constant 0 : i32
    %dma_wait3A_713 = arith.constant 0 : i32
    %dma_wait3A_714 = tpu.memref_slice %arg3[%dma_wait3A_712, %dma_wait3A_713] : memref<36000x2048xf32, #tpu.memory_space<hbm>> -> memref<36000x2048xf32, #tpu.memory_space<hbm>>
    tpu.wait_indirect_dma semaphore(%arg7 : memref<!tpu.dma_semaphore, #tpu.memory_space<semaphore_mem>>) src(%dma_wait3A_714 : memref<36000x2048xf32, #tpu.memory_space<hbm>>) dst(%dma_wait3A_709 : memref<16x2048xf32, #tpu.memory_space<vmem>>)
    %add3A_715 = arith.constant 240 : i32
    %add3A_716 = arith.addi %mul3A_2, %add3A_715 : i32
    %dma_start3A_717 = arith.constant 0 : i32
    %dma_start3A_718 = arith.constant 0 : i32
    %dma_start3A_719 = arith.constant 0 : i32
    %dma_start3A_720 = tpu.memref_slice %arg6[%dma_start3A_717, %dma_start3A_718, %dma_start3A_719] : memref<3x16x2048xf32, #tpu.memory_space<vmem>> -> memref<1x16x2048xf32, #tpu.memory_space<vmem>>
    %dma_start3A_721 = tpu.memref_squeeze %dma_start3A_720 : memref<1x16x2048xf32, #tpu.memory_space<vmem>> -> memref<16x2048xf32, #tpu.memory_space<vmem>>
    %dma_start3A_722 = arith.constant 0 : i32
    %dma_start3A_723 = tpu.memref_slice %arg4[%add3A_716, %dma_start3A_722] : memref<8192x2048xf32, #tpu.memory_space<hbm>> -> memref<16x2048xf32, #tpu.memory_space<hbm>>
    %dma_start3A_724 = arith.constant 0 : i32
    %dma_start3A_725 = tpu.memref_slice %arg4[%add3A_716, %dma_start3A_724] : memref<8192x2048xf32, #tpu.memory_space<hbm>> -> memref<16x2048xf32, #tpu.memory_space<hbm>>
    %dma_start3A_726 = arith.constant 0 : i32
    %dma_start3A_727 = arith.constant 0 : i32
    %dma_start3A_728 = tpu.memref_slice %arg6[%dma_start3A_717, %dma_start3A_726, %dma_start3A_727] : memref<3x16x2048xf32, #tpu.memory_space<vmem>> -> memref<1x16x2048xf32, #tpu.memory_space<vmem>>
    %dma_start3A_729 = tpu.memref_squeeze %dma_start3A_728 : memref<1x16x2048xf32, #tpu.memory_space<vmem>> -> memref<16x2048xf32, #tpu.memory_space<vmem>>
    tpu.enqueue_dma source(%dma_start3A_729 : memref<16x2048xf32, #tpu.memory_space<vmem>>) target(%dma_start3A_725 : memref<16x2048xf32, #tpu.memory_space<hbm>>) target_semaphore(%arg10 : memref<!tpu.dma_semaphore, #tpu.memory_space<semaphore_mem>>)
    %dma_wait3A_730 = arith.constant 1 : i32
    %dma_wait3A_731 = arith.constant 0 : i32
    %dma_wait3A_732 = arith.constant 0 : i32
    %dma_wait3A_733 = tpu.memref_slice %arg6[%dma_wait3A_730, %dma_wait3A_731, %dma_wait3A_732] : memref<3x16x2048xf32, #tpu.memory_space<vmem>> -> memref<1x16x2048xf32, #tpu.memory_space<vmem>>
    %dma_wait3A_734 = tpu.memref_squeeze %dma_wait3A_733 : memref<1x16x2048xf32, #tpu.memory_space<vmem>> -> memref<16x2048xf32, #tpu.memory_space<vmem>>
    %dma_wait3A_735 = arith.constant 0 : i32
    %dma_wait3A_736 = tpu.memref_slice %arg4[%add3A_643, %dma_wait3A_735] : memref<8192x2048xf32, #tpu.memory_space<hbm>> -> memref<16x2048xf32, #tpu.memory_space<hbm>>
    %dma_wait3A_737 = arith.constant 0 : i32
    %dma_wait3A_738 = tpu.memref_slice %arg4[%add3A_643, %dma_wait3A_737] : memref<8192x2048xf32, #tpu.memory_space<hbm>> -> memref<16x2048xf32, #tpu.memory_space<hbm>>
    %dma_wait3A_739 = arith.constant 0 : i32
    %dma_wait3A_740 = arith.constant 0 : i32
    %dma_wait3A_741 = tpu.memref_slice %arg6[%dma_wait3A_730, %dma_wait3A_739, %dma_wait3A_740] : memref<3x16x2048xf32, #tpu.memory_space<vmem>> -> memref<1x16x2048xf32, #tpu.memory_space<vmem>>
    %dma_wait3A_742 = tpu.memref_squeeze %dma_wait3A_741 : memref<1x16x2048xf32, #tpu.memory_space<vmem>> -> memref<16x2048xf32, #tpu.memory_space<vmem>>
    tpu.wait_dma2 semaphore(%arg11 : memref<!tpu.dma_semaphore, #tpu.memory_space<semaphore_mem>>) src(%dma_wait3A_742 : memref<16x2048xf32, #tpu.memory_space<vmem>>) dst(%dma_wait3A_738 : memref<16x2048xf32, #tpu.memory_space<hbm>>)
    %dma_wait3A_743 = arith.constant 2 : i32
    %dma_wait3A_744 = arith.constant 0 : i32
    %dma_wait3A_745 = arith.constant 0 : i32
    %dma_wait3A_746 = tpu.memref_slice %arg6[%dma_wait3A_743, %dma_wait3A_744, %dma_wait3A_745] : memref<3x16x2048xf32, #tpu.memory_space<vmem>> -> memref<1x16x2048xf32, #tpu.memory_space<vmem>>
    %dma_wait3A_747 = tpu.memref_squeeze %dma_wait3A_746 : memref<1x16x2048xf32, #tpu.memory_space<vmem>> -> memref<16x2048xf32, #tpu.memory_space<vmem>>
    %dma_wait3A_748 = arith.constant 0 : i32
    %dma_wait3A_749 = tpu.memref_slice %arg4[%add3A_691, %dma_wait3A_748] : memref<8192x2048xf32, #tpu.memory_space<hbm>> -> memref<16x2048xf32, #tpu.memory_space<hbm>>
    %dma_wait3A_750 = arith.constant 0 : i32
    %dma_wait3A_751 = tpu.memref_slice %arg4[%add3A_691, %dma_wait3A_750] : memref<8192x2048xf32, #tpu.memory_space<hbm>> -> memref<16x2048xf32, #tpu.memory_space<hbm>>
    %dma_wait3A_752 = arith.constant 0 : i32
    %dma_wait3A_753 = arith.constant 0 : i32
    %dma_wait3A_754 = tpu.memref_slice %arg6[%dma_wait3A_743, %dma_wait3A_752, %dma_wait3A_753] : memref<3x16x2048xf32, #tpu.memory_space<vmem>> -> memref<1x16x2048xf32, #tpu.memory_space<vmem>>
    %dma_wait3A_755 = tpu.memref_squeeze %dma_wait3A_754 : memref<1x16x2048xf32, #tpu.memory_space<vmem>> -> memref<16x2048xf32, #tpu.memory_space<vmem>>
    tpu.wait_dma2 semaphore(%arg12 : memref<!tpu.dma_semaphore, #tpu.memory_space<semaphore_mem>>) src(%dma_wait3A_755 : memref<16x2048xf32, #tpu.memory_space<vmem>>) dst(%dma_wait3A_751 : memref<16x2048xf32, #tpu.memory_space<hbm>>)
    %dma_wait3A_756 = arith.constant 0 : i32
    %dma_wait3A_757 = arith.constant 0 : i32
    %dma_wait3A_758 = arith.constant 0 : i32
    %dma_wait3A_759 = tpu.memref_slice %arg6[%dma_wait3A_756, %dma_wait3A_757, %dma_wait3A_758] : memref<3x16x2048xf32, #tpu.memory_space<vmem>> -> memref<1x16x2048xf32, #tpu.memory_space<vmem>>
    %dma_wait3A_760 = tpu.memref_squeeze %dma_wait3A_759 : memref<1x16x2048xf32, #tpu.memory_space<vmem>> -> memref<16x2048xf32, #tpu.memory_space<vmem>>
    %dma_wait3A_761 = arith.constant 0 : i32
    %dma_wait3A_762 = tpu.memref_slice %arg4[%add3A_716, %dma_wait3A_761] : memref<8192x2048xf32, #tpu.memory_space<hbm>> -> memref<16x2048xf32, #tpu.memory_space<hbm>>
    %dma_wait3A_763 = arith.constant 0 : i32
    %dma_wait3A_764 = tpu.memref_slice %arg4[%add3A_716, %dma_wait3A_763] : memref<8192x2048xf32, #tpu.memory_space<hbm>> -> memref<16x2048xf32, #tpu.memory_space<hbm>>
    %dma_wait3A_765 = arith.constant 0 : i32
    %dma_wait3A_766 = arith.constant 0 : i32
    %dma_wait3A_767 = tpu.memref_slice %arg6[%dma_wait3A_756, %dma_wait3A_765, %dma_wait3A_766] : memref<3x16x2048xf32, #tpu.memory_space<vmem>> -> memref<1x16x2048xf32, #tpu.memory_space<vmem>>
    %dma_wait3A_768 = tpu.memref_squeeze %dma_wait3A_767 : memref<1x16x2048xf32, #tpu.memory_space<vmem>> -> memref<16x2048xf32, #tpu.memory_space<vmem>>
    tpu.wait_dma2 semaphore(%arg10 : memref<!tpu.dma_semaphore, #tpu.memory_space<semaphore_mem>>) src(%dma_wait3A_768 : memref<16x2048xf32, #tpu.memory_space<vmem>>) dst(%dma_wait3A_764 : memref<16x2048xf32, #tpu.memory_space<hbm>>)
    return
  }
}

module attributes {stable_mosaic.version = 14 : i64} {
  func.func @_mask_parts_body(%arg0: memref<4x2048xi32, #tpu.memory_space<vmem>>, %arg1: memref<2048x2048xi8, #tpu.memory_space<vmem>>, %arg2: memref<4x2048xi8, #tpu.memory_space<vmem>>) attributes {dimension_semantics = [], scalar_prefetch = 0 : i64, scratch_operands = 0 : i64, tpu.core_type = #tpu.core_type<tc>} {
    %iota3A = tpu.iota {dimensions = array<i32: 0>} : vector<2048x2048xi32>
    %iota3A_0 = tpu.iota {dimensions = array<i32: 1>} : vector<2048x2048xi32>
    %le3A = arith.cmpi sle, %iota3A_0, %iota3A : vector<2048x2048xi32>
    %convert_element_type3A = arith.extui %le3A : vector<2048x2048xi1> to vector<2048x2048xi8>
    %swap3A = arith.constant 0 : index
    %swap3A_1 = arith.constant 0 : index
    %swap3A_2 = vector.load %arg1[%swap3A, %swap3A_1] : memref<2048x2048xi8, #tpu.memory_space<vmem>>, vector<2048x2048xi8>
    tpu.vector_store %arg1[%swap3A, %swap3A_1], %convert_element_type3A {strides = array<i32>} : memref<2048x2048xi8, #tpu.memory_space<vmem>>, vector<2048x2048xi8>,
    %get3A = arith.constant 0 : index
    %get3A_3 = arith.constant 0 : index
    %get3A_4 = vector.load %arg0[%get3A, %get3A_3] : memref<4x2048xi32, #tpu.memory_space<vmem>>, vector<4x2048xi32>
    %ne3A = arith.constant 0 : i32
    %ne3A_5 = vector.broadcast %ne3A : i32 to vector<4x2048xi32>
    %ne3A_6 = arith.cmpi ne, %get3A_4, %ne3A_5 : vector<4x2048xi32>
    %convert_element_type3A_7 = arith.extui %ne3A_6 : vector<4x2048xi1> to vector<4x2048xi8>
    %swap3A_8 = arith.constant 0 : index
    %swap3A_9 = arith.constant 0 : index
    %swap3A_10 = vector.load %arg2[%swap3A_8, %swap3A_9] : memref<4x2048xi8, #tpu.memory_space<vmem>>, vector<4x2048xi8>
    tpu.vector_store %arg2[%swap3A_8, %swap3A_9], %convert_element_type3A_7 {strides = array<i32>} : memref<4x2048xi8, #tpu.memory_space<vmem>>, vector<4x2048xi8>,
    return
  }
}

</mosaic_0001>

<sc_bundles>
// kernel: kernel.4.cloned.1.call-start
scs
__scs_entry_jumppad:
0x0: {  	(pc) =	sbr.rel $0x88, $3  }
0x1: {  	(tag) =	ssettag $0x0;
	lr =	simm.s32 $0x1  }
0x2: {  	[smem:$0x3F9E] =	sst lr;
	_ =	strace $0xD0000000  }
0x3: {  	_ = 	snop  }
0x4: {  	_ = 	snop  }
0x5: {  	_ = 	snop  }
0x6: {  	_ = 	snop  }
0x7: {  	_ = 	snop  }
__scs_overlays_trampoline_lowered:
0x8: {  	[smem:$0x3FAD] =	sst s0  }
0x9: {  	[smem:$0x3FAE] =	sst s1  }
0xa: {  	[smem:$0x3FAF] =	sst s2  }
0xb: {  	[smem:$0x3FB0] =	sst s3  }
0xc: {  	[smem:$0x3FB1] =	sst s4  }
0xd: {  	[smem:$0x3FB2] =	sst s5  }
0xe: {  	[smem:$0x3FB3] =	sst s6  }
0xf: {  	[smem:$0x3FB4] =	sst s7  }
0x10: {  	[smem:$0x3FB5] =	sst s8  }
0x11: {  	[smem:$0x3FB6] =	sst s9;
	s0 =	simm.s32 @!p0 $0x0  }
0x12: {  	s1 =	sld [smem:$0x3F9C];
	s0 =	simm.s32 @p0 $0x1  }
0x13: {  	[smem:$0x3FB7] =	sst s0;
	s0 =	simm.s32 @!p1 $0x0  }
0x14: {  	s2 =	sld [smem:$0x3F9B];
	s0 =	simm.s32 @p1 $0x1  }
0x15: {  	[smem:$0x3FB8] =	sst s0;
	s0 =	simm.s32 @!p2 $0x0  }
0x16: {  	s3 =	sld [smem:$0x3FDB];
	s0 =	simm.s32 @p2 $0x1  }
0x17: {  	s4 =	simm.s32 $0x1BF5;
	[smem:$0x3FBA] =	sst s0  }
0x18: {  	s0 =	sld [smem:$0x3F9D];
	_ =	swait.ge [sflag:s4], $0x0  }
0x19: {  	s7 =	sld [smem:$0x3F9E]  }
0x1a: {  	s8 =	sadd.s32 $0xFFFFE003, lr  }
0x1b: {  	s9 =	sadd.s32 $0xFFFFFEF7, lr;
	s5 =	simm.s32 $0xFFFFFFFF;
	p2 =	slt.u32 s8, $0xFFFFF086  }
0x1c: {  	p1 =	slt.u32 s9, $0xF7A;
	s5 =	simm.s32 @!p2 $0x0  }
0x1d: {  	s5 =	simm.s32 @p1 $0x1;
	p0 =	seq.s32 s7, s2  }
0x1e: {  	s7 =	smul.u32 @!p0 $0xF7A, s2;
	p2 =	seq.s32 @!p0 s5, $0x0  }
0x1f: {  	s9 =	smul.u32 $0xF7A, s1;
	s8 =	simm.s32 @!p0 $0x1BF5;
	p2 =	por !p2, p0  }
0x20: {  	[sflag:s8] =	ssyncset.s32 @!p0 $0xFFFFF086;
	s6 =	sadd.s32 @!p0 s3, s7;
	s7 =	simm.s32 @!p0 $0x108  }
0x21: {  	s3 =	sadd.s32 s3, s9;
	s6 =	sadd.s32 @!p0 $0x88, s6;
	s7 =	simm.s32 @p2 $0x1082  }
0x22: {  	[simem:s7], [sflag:s8] =	dma.local @!p0 [hbm:s6], $0xF7A  }
0x23: {  	s9 =	sor.u32 $0xD0000000, s2;
	s6 =	simm.s32 $0x108;
	_ =	swait.ge @!p0 [sflag:s8], $0x0  }
0x24: {  	s3 =	sadd.s32 $0x88, s3;
	s6 =	simm.s32 @!p1 $0x1082;
	[sflag:s4] =	ssyncset.s32 $0xFFFFF086  }
0x25: {  	[simem:s6], [sflag:s4] =	dma.local [hbm:s3], $0xF7A  }
0x26: {  	[smem:$0x3F9E] =	sst s1;
	(tag) =	ssettag s2;
	_ =	strace s9  }
0x27: {  	s1 =	sld [smem:$0x3FAE]  }
0x28: {  	s2 =	sld [smem:$0x3FAF]  }
0x29: {  	s4 =	sld [smem:$0x3FB1]  }
0x2a: {  	p0 =	seq.s32 s5, $0x0;
	s5 =	sld [smem:$0x3FB2]  }
0x2b: {  	s6 =	sld [smem:$0x3FB3]  }
0x2c: {  	s7 =	sld [smem:$0x3FB4]  }
0x2d: {  	s3 =	simm.s32 $0x108;
	s8 =	sld [smem:$0x3FB5]  }
0x2e: {  	s3 =	simm.s32 @!p0 $0x1082;
	s9 =	sld [smem:$0x3FB6]  }
0x2f: {  	lr =	sadd.s32 s0, s3;
	s0 =	sld [smem:$0x3FAD]  }
0x30: {  	s3 =	sld [smem:$0x3FB0]  }
0x31: {  	[smem:$0x3FB9] =	sst s10  }
0x32: {  	s10 =	sld [smem:$0x3FB7];
	_ =	sdelay $0x3  }
0x33: {  	p0 =	seq.s32 s10, $0x1;
	s10 =	sld [smem:$0x3FB9];
	_ =	sdelay $0x3  }
0x34: {  	[smem:$0x3FB9] =	sst s10  }
0x35: {  	s10 =	sld [smem:$0x3FB8];
	_ =	sdelay $0x3  }
0x36: {  	p1 =	seq.s32 s10, $0x1;
	s10 =	sld [smem:$0x3FB9];
	_ =	sdelay $0x3  }
0x37: {  	[smem:$0x3FB9] =	sst s10  }
0x38: {  	s10 =	sld [smem:$0x3FBA]  }
0x39: {  	_ = 	snop;
	(pc) =	sbr.ind lr, $3  }
0x3a: {  	_ = 	snop  }
0x3b: {  	_ = 	snop  }
0x3c: {  	p2 =	seq.s32 s10, $0x1;
	s10 =	sld [smem:$0x3FB9]  }
0x3d: {  	_ =	shalt  }
0x3e: {  	_ =	shalt  }
0x3f: {  	_ =	shalt  }
0x40: {  	_ =	shalt  }
0x41: {  	_ =	shalt  }
0x42: {  	_ =	shalt  }
0x43: {  	_ =	shalt  }
0x44: {  	_ =	shalt  }
0x45: {  	_ =	shalt  }
0x46: {  	_ =	shalt  }
0x47: {  	_ =	shalt  }
0x48: {  	_ =	shalt  }
0x49: {  	_ =	shalt  }
0x4a: {  	_ =	shalt  }
0x4b: {  	_ =	shalt  }
0x4c: {  	_ =	shalt  }
0x4d: {  	_ =	shalt  }
0x4e: {  	_ =	shalt  }
0x4f: {  	_ =	shalt  }
0x50: {  	_ =	shalt  }
0x51: {  	_ =	shalt  }
0x52: {  	_ =	shalt  }
0x53: {  	_ =	shalt  }
0x54: {  	_ =	shalt  }
0x55: {  	_ =	shalt  }
0x56: {  	_ =	shalt  }
0x57: {  	_ =	shalt  }
0x58: {  	_ =	shalt  }
0x59: {  	_ =	shalt  }
0x5a: {  	_ =	shalt  }
0x5b: {  	_ =	shalt  }
0x5c: {  	_ =	shalt  }
0x5d: {  	_ =	shalt  }
0x5e: {  	_ =	shalt  }
0x5f: {  	_ =	shalt  }
0x60: {  	_ =	shalt  }
0x61: {  	_ =	shalt  }
0x62: {  	_ =	shalt  }
0x63: {  	_ =	shalt  }
0x64: {  	_ =	shalt  }
0x65: {  	_ =	shalt  }
0x66: {  	_ =	shalt  }
0x67: {  	_ =	shalt  }
0x68: {  	_ =	shalt  }
0x69: {  	_ =	shalt  }
0x6a: {  	_ =	shalt  }
0x6b: {  	_ =	shalt  }
0x6c: {  	_ =	shalt  }
0x6d: {  	_ =	shalt  }
0x6e: {  	_ =	shalt  }
0x6f: {  	_ =	shalt  }
0x70: {  	_ =	shalt  }
0x71: {  	_ =	shalt  }
0x72: {  	_ =	shalt  }
0x73: {  	_ =	shalt  }
0x74: {  	_ =	shalt  }
0x75: {  	_ =	shalt  }
0x76: {  	_ =	shalt  }
0x77: {  	_ =	shalt  }
0x78: {  	_ =	shalt  }
0x79: {  	_ =	shalt  }
0x7a: {  	_ =	shalt  }
0x7b: {  	_ =	shalt  }
0x7c: {  	_ =	shalt  }
0x7d: {  	_ =	shalt  }
0x7e: {  	_ =	shalt  }
0x7f: {  	_ =	shalt  }
0x80: {  	_ =	shalt  }
0x81: {  	_ =	shalt  }
0x82: {  	_ =	shalt  }
0x83: {  	_ =	shalt  }
0x84: {  	_ =	shalt  }
0x85: {  	_ =	shalt  }
0x86: {  	_ =	shalt  }
0x87: {  	_ =	shalt  }
.Lfunc_end0:
.L_simem_size_0:
called_computation_lowered:
.L_overlay_start_0:
0x88: {  	s2 =	sld [smem:$0x3FD9]  }
0x89: {  	s3 =	sld [smem:$0x3FFE];
	_ =	sdelay $0x1  }
0x8a: {  	s1 =	srdreg.scid  }
0x8b: {  	s0 =	sand.u32 $0x1, s1  }
0x8c: {  	s14 =	sshll.u32 s0, $0xA;
	s2 =	sadd.s32 s3, s2  }
0x8d: {  	s2 =	sadd.s32 s2, s14  }
0x8e: {  	[smem:$0x3FC5] =	sst s2  }
0x8f: {  	_ = 	snop  }
0x90: {  	s2 =	sld [smem:$0x3FD0];
	_ =	sdelay $0x2  }
0x91: {  	s4 =	simm.s32 $0xA;
	s5 =	simm.s32 $0x10;
	s15 =	sld [smem:$0x3FC7]  }
0x92: {  	[smem:s5], [sflag:s4] =	dma.local [hbm:s2], $0x1  }
0x93: {  	_ =	swait.eq [sflag:s4], $0x1  }
0x94: {  	[sflag:s4] =	ssyncset.done $0x0  }
0x95: {  	[sflag:s4] =	ssyncadd.s32 $0xFFFFFFFF  }
0x96: {  	s16 =	sld [smem:$0x10];
	(tm) =	ssettm $0x1  }
0x97: {  	s17 =	sld [smem:$0x3FFB];
	_ =	sdelay $0x3  }
0x98: {  	_ =	strace s17  }
0x99: {  	s4 =	sld [smem:$0x3FFC];
	_ =	sdelay $0x3  }
0x9a: {  	_ =	strace s4  }
0x9b: {  	s4 =	sld [smem:$0x3FFD];
	_ =	sdelay $0x3  }
0x9c: {  	_ =	strace s4  }
0x9d: {  	_ =	strace $0x8FFFFFFF  }
0x9e: {  	s18 =	sld [smem:$0x3FDB];
	_ =	sdelay $0x1  }
0x9f: {  	s19 =	simm.s32 $_scs_section_size  }
0xa0: {  	s6 =	simm.s32 $_size__tile_overlayer_lowered;
	s7 =	simm.s32 $_tile_overlayer_lowered  }
0xa1: {  	s22 =	simm.s32 $0x1BFF;
	s21 =	sshll.u32 s7, $0x1;
	s4 =	sadd.s32 s19, s18  }
0xa2: {  	s8 =	simm.s32 $0x0;
	s20 =	sshll.u32 s6, $0x1;
	s6 =	sadd.s32 s21, s4  }
0xa3: {  	[timem:s8], [sflag:s22] =	dma.local [hbm:s6], s20  }
0xa4: {  	_ =	swait.ge [sflag:s22], s20  }
0xa5: {  	s5 =	ssub.s32 $0x0, s20;
	[sflag:s22] =	ssyncset.done $0x0  }
0xa6: {  	[sflag:s22] =	ssyncadd.s32 s5;
	_ =	sdelay $0x1  }
0xa7: {  	s23 =	simm.s32 $0x1B8B  }
0xa8: {  	_ =	swait.ge [sflag:s23], $0x1  }
0xa9: {  	[sflag:s23] =	ssyncset.done $0x0  }
0xaa: {  	s25 =	simm.s32 $0x1B8E;
	s24 =	sld [smem:$0x3FFE];
	[sflag:s23] =	ssyncadd.s32 $0xFFFFFFFF  }
0xab: {  	s26 =	simm.s32 $execute0_lowered;
	[smem:$0x3FD2] =	sst s25  }
0xac: {  	s6 =	sshll.u32 s26, $0x1;
	_ =	strace $0x80000046;
	[dreg:$0x1] =	wrdreg $0xFFFFFFFF  }
0xad: {  	s28 =	simm.s32 $_size_execute0_lowered;
	s4 =	sadd.s32 s4, s6;
	[dreg:$0x0] =	wrdreg $0x0  }
0xae: {  	s6 =	sshll.u32 s28, $0x1;
	[dreg:$0x2] =	wrdreg s4  }
0xaf: {  	[dreg:$0x3] =	wrdreg s6  }
0xb0: {  	[dreg:$0x4] =	wrdreg $0xC0  }
0xb1: {  	_ =	task [dreg:s8], $0x5FFFF  }
0xb2: {  	[dreg:$0x1] =	wrdreg $0xFFFFFFFF  }
0xb3: {  	[dreg:$0x0] =	wrdreg $0x60  }
0xb4: {  	[dreg:$0x2] =	wrdreg s24  }
0xb5: {  	[dreg:$0x3] =	wrdreg s15  }
0xb6: {  	[dreg:$0x4] =	wrdreg s16  }
0xb7: {  	[dreg:$0x5] =	wrdreg $0x9  }
0xb8: {  	_ =	task.clear_ibuf [dreg:s8], $0x6FFFF;
	_ =	strace $0x90000046  }
0xb9: {  	s29 =	simm.s32 $0x9;
	_ =	strace $0x80000048  }
0xba: {  	_ =	swait.ge [sflag:s29], $0x1  }
0xbb: {  	[sflag:s29] =	ssyncadd.s32 $0xFFFFFFFF  }
0xbc: {  	_ =	strace $0x90000048  }
0xbd: {  	_ =	sfence  }
0xbe: {  	s30 =	sld [smem:$0x0];
	_ =	sdelay $0x2  }
0xbf: {  	s31 =	sshll.u32 s1, $0xD;
	s1 =	sshrl.u32 s1, $0x2  }
0xc0: {  	s3 =	sand.u32 $0x4000, s31;
	s1 =	sadd.s32 s1, s30  }
0xc1: {  	s0 =	sor.u32 s3, s0;
	s1 =	sshll.u32 s1, $0x11  }
0xc2: {  	s0 =	sor.u32 s1, s0  }
0xc3: {  	s0 =	sadd.s32 $0x8F2B, s0  }
0xc4: {  	[sflag:s0] =	ssyncadd.remote.s32 $0x1  }
0xc5: {  	_ =	sfence.sel $0xFFFF  }
0xc6: {  	[dreg:$0x0] =	wrdreg $0xFFFFFFFF;
	(pc) =	sbr.abs _section_cstart, $3  }
0xc7: {  	[dreg:$0x1] =	wrdreg $0xFFFFFFFF  }
0xc8: {  	_ =	task.clear_ibuf [dreg:s8], $0x2FFFF;
	_ =	strace $0x9FFFFFFF  }
0xc9: {  	(tm) =	ssettm $0x7FFFFFFF  }
tec
execute0_lowered:
.L_overlay_start_1:
0x0: {  	(tag) =	ssettag $0x1  }
0x1: {  	s0 =	rddreg [dreg:$0x0];
	s5 =	stileid.u32  }
0x2: {  	s1 =	srdreg.scid;
	s2 =	rddreg [dreg:$0x1]  }
0x3: {  	s4 =	rddreg [dreg:$0x2];
	s1 =	sand.u32 $0x1, s1;
	s3 =	sshll.u32 s5, $0x1  }
0x4: {  	s30 =	simm.s32 $0x80;
	s6 =	sor.u32 s1, s3;
	s3 =	simm.s32 $0x0  }
0x5: {  	s31 =	simm.s32 $0x400;
	s5 =	sshll.u32 s5, $0x6;
	[smem:$0x7FF] =	sst s3  }
0x6: {  	s12 =	sshll.u32 s6, $0x10;
	_ =	strace $0x80000047;
	[dreg:$0x14] =	wrdreg s30  }
0x7: {  	s8 =	sadd.s32 $0x400, s2;
	s10 =	sadd.s32 s4, s12;
	[dreg:$0x15] =	wrdreg s31  }
0x8: {  	s9 =	sadd.s32 $0x500, s2;
	s13 =	sadd.s32 $0x1000, s10;
	[dreg:$0x16] =	wrdreg s10  }
0x9: {  	s5 =	sand.u32 $0x300, s5;
	s14 =	sadd.s32 $0x2000, s10;
	[dreg:$0x5] =	wrdreg s13  }
0xa: {  	s1 =	ssub.s32 $0x2, s1;
	s15 =	sadd.s32 $0x3000, s10;
	[dreg:$0x6] =	wrdreg s14  }
0xb: {  	s7 =	sshll.u32 s6, $0x4;
	s16 =	sadd.s32 $0x4000, s10;
	[dreg:$0x7] =	wrdreg s15  }
0xc: {  	s0 =	sadd.s32 s5, s0;
	s17 =	sadd.s32 $0x5000, s10;
	[dreg:$0x8] =	wrdreg s16  }
0xd: {  	s21 =	sshrl.u32 s1, $0x1;
	s18 =	sadd.s32 $0x6000, s10;
	[dreg:$0x9] =	wrdreg s17  }
0xe: {  	s5 =	sadd.s32 $0x100, s2;
	s19 =	sadd.s32 $0x7000, s10;
	[dreg:$0xa] =	wrdreg s18  }
0xf: {  	s6 =	sadd.s32 $0x200, s2;
	s20 =	sadd.s32 $0x8000, s10;
	[dreg:$0xb] =	wrdreg s19  }
0x10: {  	s11 =	sand.u32 $0x70, s7;
	s22 =	sadd.s32 $0x9000, s10;
	[dreg:$0xc] =	wrdreg s20  }
0x11: {  	s1 =	ssub.s32 s1, s21;
	s23 =	sadd.s32 $0xA000, s10;
	[dreg:$0xd] =	wrdreg s22  }
0x12: {  	s7 =	sadd.s32 $0x300, s2;
	s24 =	sadd.s32 $0xB000, s10;
	[dreg:$0xe] =	wrdreg s23  }
0x13: {  	s4 =	simm.s32 $0x2;
	s25 =	sadd.s32 $0xC000, s10;
	[dreg:$0xf] =	wrdreg s24  }
0x14: {  	s0 =	sadd.s32 s11, s0;
	s26 =	sadd.s32 $0xD000, s10;
	[dreg:$0x10] =	wrdreg s25  }
0x15: {  	s28 =	sadd.s32 $0xE000, s10;
	s29 =	sadd.s32 $0xF000, s10;
	[dreg:$0x11] =	wrdreg s26  }
0x16: {  	s10 =	sadd.s32 $0x600, s2;
	s11 =	sadd.s32 $0x700, s2;
	[dreg:$0x12] =	wrdreg s28  }
0x17: {  	v2 =	vlaneseq.u32;
	s1 =	smax.u32 s1, $0x1;
	s0 =	sadd.s32 $0x800, s0;
	[dreg:$0x13] =	wrdreg s29  }
0x18: {  	vm0 =	vmmov $0xffff;
	v1 =	vshrl.u32 v2, $0x3;
	s13 =	simm.s32 $0x1;
	s15 =	simm.s32 $0x3;
	s16 =	simm.s32 $0x5  }
0x19: {  	v0 =	vand.u32 $0x7, v2;
	v2 =	vor.u32 $0x8, v2;
	v1 =	vmul.u32 $0x8, v1;
	s17 =	simm.s32 $0x6;
	[dreg:$0x4] =	wrdreg s0;
	s0 =	simm.s32 $0x4  }
.LBB2_1:
0x1a: {  	[dreg:$0x17] =	wrdreg s1  }
0x1b: {  	s18 =	rddreg [dreg:$0x4]  }
0x1c: {  	s19 =	rddreg [dreg:$0x14]  }
0x1d: {  	s20 =	rddreg [dreg:$0x15];
	s30 =	simm.s32 $0x7  }
0x1e: {  	[tilespmem:s3], [sflag:$0x7] =	stream.strided.gather [hbm4b:s18+s19], $0x100, s20, s19, $0x38;
	[tilespmem:$0x18100] =	vst v63  }
0x1f: {  	_ =	swait.ge [sflag:s30], $0x100  }
0x20: {  	[sflag:s30] =	ssyncset.done $0x0  }
0x21: {  	[sflag:s30] =	ssyncadd.s32 $0xFFFFFF00  }
0x22: {  	v3 =	vld [tilespmem:$0x0];
	_ =	sdelay $0x4  }
0x23: {  	v4 =	vshll.u32 v3, $0x4  }
0x24: {  	v3 =	vand.u32 $0x7, v3;
	v4 =	vand.u32 $0xFFFFFF80, v4  }
0x25: {  	v3 =	vor.u32 v3, v4  }
0x26: {  	v4 =	vperm.xlane v3, v0;
	_ =	sdelay $0x1  }
0x27: {  	v4 =	vadd.s32 v1, v4;
	_ =	sdelay $0x3  }
0x28: {  	s20 =	simm.s32 $0x100  }
0x29: {  	[tilespmem:s20], [sflag:$0x1] =	stream.indirect_vreg.gather [hbm4b:s2+s3], $0x80, v4, vm0, $0xb8;
	[tilespmem:$0x18100] =	vst v63  }
0x2a: {  	s31 =	simm.s32 $0x900  }
0x2b: {  	[tilespmem:s31], [sflag:$0x1] =	stream.indirect_vreg.gather [hbm4b:s5+s3], $0x80, v4, vm0, $0xb8;
	[tilespmem:$0x18100] =	vst v63  }
0x2c: {  	s1 =	simm.s32 $0x1100  }
0x2d: {  	[tilespmem:s1], [sflag:$0x1] =	stream.indirect_vreg.gather [hbm4b:s6+s3], $0x80, v4, vm0, $0xb8;
	[tilespmem:$0x18100] =	vst v63  }
0x2e: {  	s12 =	simm.s32 $0x1900  }
0x2f: {  	[tilespmem:s12], [sflag:$0x1] =	stream.indirect_vreg.gather [hbm4b:s7+s3], $0x80, v4, vm0, $0xb8;
	[tilespmem:$0x18100] =	vst v63  }
0x30: {  	s14 =	simm.s32 $0x2100  }
0x31: {  	[tilespmem:s14], [sflag:$0x1] =	stream.indirect_vreg.gather [hbm4b:s8+s3], $0x80, v4, vm0, $0xb8;
	[tilespmem:$0x18100] =	vst v63  }
0x32: {  	s19 =	simm.s32 $0x2900;
	v3 =	vperm.xlane v3, v2  }
0x33: {  	[tilespmem:s19], [sflag:$0x1] =	stream.indirect_vreg.gather [hbm4b:s9+s3], $0x80, v4, vm0, $0xb8;
	[tilespmem:$0x18100] =	vst v63  }
0x34: {  	s21 =	simm.s32 $0x3100;
	v3 =	vadd.s32 v1, v3  }
0x35: {  	[tilespmem:s21], [sflag:$0x1] =	stream.indirect_vreg.gather [hbm4b:s10+s3], $0x80, v4, vm0, $0xb8;
	[tilespmem:$0x18100] =	vst v63  }
0x36: {  	s23 =	simm.s32 $0x3900  }
0x37: {  	[tilespmem:s23], [sflag:$0x1] =	stream.indirect_vreg.gather [hbm4b:s11+s3], $0x80, v4, vm0, $0xb8;
	[tilespmem:$0x18100] =	vst v63  }
0x38: {  	s24 =	simm.s32 $0x4100  }
0x39: {  	[tilespmem:s24], [sflag:$0x1] =	stream.indirect_vreg.gather [hbm4b:s2+s3], $0x80, v3, vm0, $0xb8;
	[tilespmem:$0x18100] =	vst v63  }
0x3a: {  	s25 =	simm.s32 $0x4900  }
0x3b: {  	[tilespmem:s25], [sflag:$0x1] =	stream.indirect_vreg.gather [hbm4b:s5+s3], $0x80, v3, vm0, $0xb8;
	[tilespmem:$0x18100] =	vst v63  }
0x3c: {  	s26 =	simm.s32 $0x5100  }
0x3d: {  	[tilespmem:s26], [sflag:$0x1] =	stream.indirect_vreg.gather [hbm4b:s6+s3], $0x80, v3, vm0, $0xb8;
	[tilespmem:$0x18100] =	vst v63  }
0x3e: {  	s28 =	simm.s32 $0x5900  }
0x3f: {  	[tilespmem:s28], [sflag:$0x1] =	stream.indirect_vreg.gather [hbm4b:s7+s3], $0x80, v3, vm0, $0xb8;
	[tilespmem:$0x18100] =	vst v63  }
0x40: {  	s29 =	simm.s32 $0x6100  }
0x41: {  	[tilespmem:s29], [sflag:$0x1] =	stream.indirect_vreg.gather [hbm4b:s8+s3], $0x80, v3, vm0, $0xb8;
	[tilespmem:$0x18100] =	vst v63  }
0x42: {  	s31 =	simm.s32 $0x6900  }
0x43: {  	[tilespmem:s31], [sflag:$0x1] =	stream.indirect_vreg.gather [hbm4b:s9+s3], $0x80, v3, vm0, $0xb8;
	[tilespmem:$0x18100] =	vst v63  }
0x44: {  	s12 =	simm.s32 $0x7100  }
0x45: {  	[tilespmem:s12], [sflag:$0x1] =	stream.indirect_vreg.gather [hbm4b:s10+s3], $0x80, v3, vm0, $0xb8;
	[tilespmem:$0x18100] =	vst v63  }
0x46: {  	s14 =	simm.s32 $0x7900  }
0x47: {  	[tilespmem:s14], [sflag:$0x1] =	stream.indirect_vreg.gather [hbm4b:s11+s3], $0x80, v3, vm0, $0xb8;
	[tilespmem:$0x18100] =	vst v63  }
0x48: {  	v3 =	vld [tilespmem:$0x10];
	_ =	sdelay $0x4  }
0x49: {  	v49 =	vshll.u32 v3, $0x4  }
0x4a: {  	v3 =	vand.u32 $0x7, v3;
	v4 =	vand.u32 $0xFFFFFF80, v49  }
0x4b: {  	v3 =	vor.u32 v3, v4  }
0x4c: {  	v4 =	vperm.xlane v3, v0;
	_ =	sdelay $0x1  }
0x4d: {  	v4 =	vadd.s32 v1, v4;
	_ =	sdelay $0x3  }
0x4e: {  	s14 =	simm.s32 $0x8100  }
0x4f: {  	[tilespmem:s14], [sflag:$0x2] =	stream.indirect_vreg.gather [hbm4b:s2+s3], $0x80, v4, vm0, $0xb8;
	[tilespmem:$0x18100] =	vst v63  }
0x50: {  	s19 =	simm.s32 $0x8900  }
0x51: {  	[tilespmem:s19], [sflag:$0x2] =	stream.indirect_vreg.gather [hbm4b:s5+s3], $0x80, v4, vm0, $0xb8;
	[tilespmem:$0x18100] =	vst v63  }
0x52: {  	s12 =	simm.s32 $0x9100  }
0x53: {  	[tilespmem:s12], [sflag:$0x2] =	stream.indirect_vreg.gather [hbm4b:s6+s3], $0x80, v4, vm0, $0xb8;
	[tilespmem:$0x18100] =	vst v63  }
0x54: {  	s18 =	simm.s32 $0x9900  }
0x55: {  	[tilespmem:s18], [sflag:$0x2] =	stream.indirect_vreg.gather [hbm4b:s7+s3], $0x80, v4, vm0, $0xb8;
	[tilespmem:$0x18100] =	vst v63  }
0x56: {  	s19 =	simm.s32 $0xA100  }
0x57: {  	[tilespmem:s19], [sflag:$0x2] =	stream.indirect_vreg.gather [hbm4b:s8+s3], $0x80, v4, vm0, $0xb8;
	[tilespmem:$0x18100] =	vst v63  }
0x58: {  	v3 =	vperm.xlane v3, v2;
	s12 =	simm.s32 $0xA900  }
0x59: {  	[tilespmem:s12], [sflag:$0x2] =	stream.indirect_vreg.gather [hbm4b:s9+s3], $0x80, v4, vm0, $0xb8;
	[tilespmem:$0x18100] =	vst v63  }
0x5a: {  	v3 =	vadd.s32 v1, v3;
	s18 =	simm.s32 $0xB100  }
0x5b: {  	[tilespmem:s18], [sflag:$0x2] =	stream.indirect_vreg.gather [hbm4b:s10+s3], $0x80, v4, vm0, $0xb8;
	[tilespmem:$0x18100] =	vst v63  }
0x5c: {  	s19 =	simm.s32 $0xB900  }
0x5d: {  	[tilespmem:s19], [sflag:$0x2] =	stream.indirect_vreg.gather [hbm4b:s11+s3], $0x80, v4, vm0, $0xb8;
	[tilespmem:$0x18100] =	vst v63  }
0x5e: {  	s18 =	simm.s32 $0xC100  }
0x5f: {  	[tilespmem:s18], [sflag:$0x2] =	stream.indirect_vreg.gather [hbm4b:s2+s3], $0x80, v3, vm0, $0xb8;
	[tilespmem:$0x18100] =	vst v63  }
0x60: {  	s19 =	simm.s32 $0xC900  }
0x61: {  	[tilespmem:s19], [sflag:$0x2] =	stream.indirect_vreg.gather [hbm4b:s5+s3], $0x80, v3, vm0, $0xb8;
	[tilespmem:$0x18100] =	vst v63  }
0x62: {  	s18 =	simm.s32 $0xD100  }
0x63: {  	[tilespmem:s18], [sflag:$0x2] =	stream.indirect_vreg.gather [hbm4b:s6+s3], $0x80, v3, vm0, $0xb8;
	[tilespmem:$0x18100] =	vst v63  }
0x64: {  	s19 =	simm.s32 $0xD900  }
0x65: {  	[tilespmem:s19], [sflag:$0x2] =	stream.indirect_vreg.gather [hbm4b:s7+s3], $0x80, v3, vm0, $0xb8;
	[tilespmem:$0x18100] =	vst v63  }
0x66: {  	s18 =	simm.s32 $0xE100  }
0x67: {  	[tilespmem:s18], [sflag:$0x2] =	stream.indirect_vreg.gather [hbm4b:s8+s3], $0x80, v3, vm0, $0xb8;
	[tilespmem:$0x18100] =	vst v63  }
0x68: {  	s19 =	simm.s32 $0xE900  }
0x69: {  	[tilespmem:s19], [sflag:$0x2] =	stream.indirect_vreg.gather [hbm4b:s9+s3], $0x80, v3, vm0, $0xb8;
	[tilespmem:$0x18100] =	vst v63  }
0x6a: {  	s18 =	simm.s32 $0xF100  }
0x6b: {  	[tilespmem:s18], [sflag:$0x2] =	stream.indirect_vreg.gather [hbm4b:s10+s3], $0x80, v3, vm0, $0xb8;
	[tilespmem:$0x18100] =	vst v63  }
0x6c: {  	s19 =	simm.s32 $0xF900  }
0x6d: {  	[tilespmem:s19], [sflag:$0x2] =	stream.indirect_vreg.gather [hbm4b:s11+s3], $0x80, v3, vm0, $0xb8;
	[tilespmem:$0x18100] =	vst v63  }
0x6e: {  	_ =	swait.ge [sflag:s13], $0x8000  }
0x6f: {  	[sflag:s13] =	ssyncset.done $0x0  }
0x70: {  	s14 =	rddreg [dreg:$0x16];
	[sflag:s13] =	ssyncadd.s32 $0xFFFF8000  }
0x71: {  	[hbm4b:s14+s3] =	stream.linear.scatter [tilespmem:s20], [sflag:$0x4], $0x8000, $0x38;
	[tilespmem:$0x18100] =	vst v63  }
0x72: {  	v3 =	vld [tilespmem:$0x20];
	_ =	sdelay $0x4  }
0x73: {  	v50 =	vshll.u32 v3, $0x4  }
0x74: {  	v3 =	vand.u32 $0x7, v3;
	v4 =	vand.u32 $0xFFFFFF80, v50  }
0x75: {  	v3 =	vor.u32 v3, v4  }
0x76: {  	v4 =	vperm.xlane v3, v0;
	_ =	sdelay $0x1  }
0x77: {  	v4 =	vadd.s32 v1, v4;
	_ =	sdelay $0x3  }
0x78: {  	s18 =	simm.s32 $0x10100  }
0x79: {  	[tilespmem:s18], [sflag:$0x3] =	stream.indirect_vreg.gather [hbm4b:s2+s3], $0x80, v4, vm0, $0xb8;
	[tilespmem:$0x18100] =	vst v63  }
0x7a: {  	s19 =	simm.s32 $0x10900  }
0x7b: {  	[tilespmem:s19], [sflag:$0x3] =	stream.indirect_vreg.gather [hbm4b:s5+s3], $0x80, v4, vm0, $0xb8;
	[tilespmem:$0x18100] =	vst v63  }
0x7c: {  	s19 =	simm.s32 $0x11100  }
0x7d: {  	[tilespmem:s19], [sflag:$0x3] =	stream.indirect_vreg.gather [hbm4b:s6+s3], $0x80, v4, vm0, $0xb8;
	[tilespmem:$0x18100] =	vst v63  }
0x7e: {  	s19 =	simm.s32 $0x11900  }
0x7f: {  	[tilespmem:s19], [sflag:$0x3] =	stream.indirect_vreg.gather [hbm4b:s7+s3], $0x80, v4, vm0, $0xb8;
	[tilespmem:$0x18100] =	vst v63  }
0x80: {  	s19 =	simm.s32 $0x12100  }
0x81: {  	[tilespmem:s19], [sflag:$0x3] =	stream.indirect_vreg.gather [hbm4b:s8+s3], $0x80, v4, vm0, $0xb8;
	[tilespmem:$0x18100] =	vst v63  }
0x82: {  	v3 =	vperm.xlane v3, v2;
	s19 =	simm.s32 $0x12900  }
0x83: {  	[tilespmem:s19], [sflag:$0x3] =	stream.indirect_vreg.gather [hbm4b:s9+s3], $0x80, v4, vm0, $0xb8;
	[tilespmem:$0x18100] =	vst v63  }
0x84: {  	v3 =	vadd.s32 v1, v3;
	s19 =	simm.s32 $0x13100  }
0x85: {  	[tilespmem:s19], [sflag:$0x3] =	stream.indirect_vreg.gather [hbm4b:s10+s3], $0x80, v4, vm0, $0xb8;
	[tilespmem:$0x18100] =	vst v63  }
0x86: {  	s19 =	simm.s32 $0x13900  }
0x87: {  	[tilespmem:s19], [sflag:$0x3] =	stream.indirect_vreg.gather [hbm4b:s11+s3], $0x80, v4, vm0, $0xb8;
	[tilespmem:$0x18100] =	vst v63  }
0x88: {  	s19 =	simm.s32 $0x14100  }
0x89: {  	[tilespmem:s19], [sflag:$0x3] =	stream.indirect_vreg.gather [hbm4b:s2+s3], $0x80, v3, vm0, $0xb8;
	[tilespmem:$0x18100] =	vst v63  }
0x8a: {  	s19 =	simm.s32 $0x14900  }
0x8b: {  	[tilespmem:s19], [sflag:$0x3] =	stream.indirect_vreg.gather [hbm4b:s5+s3], $0x80, v3, vm0, $0xb8;
	[tilespmem:$0x18100] =	vst v63  }
0x8c: {  	s19 =	simm.s32 $0x15100  }
0x8d: {  	[tilespmem:s19], [sflag:$0x3] =	stream.indirect_vreg.gather [hbm4b:s6+s3], $0x80, v3, vm0, $0xb8;
	[tilespmem:$0x18100] =	vst v63  }
0x8e: {  	s19 =	simm.s32 $0x15900  }
0x8f: {  	[tilespmem:s19], [sflag:$0x3] =	stream.indirect_vreg.gather [hbm4b:s7+s3], $0x80, v3, vm0, $0xb8;
	[tilespmem:$0x18100] =	vst v63  }
0x90: {  	s19 =	simm.s32 $0x16100  }
0x91: {  	[tilespmem:s19], [sflag:$0x3] =	stream.indirect_vreg.gather [hbm4b:s8+s3], $0x80, v3, vm0, $0xb8;
	[tilespmem:$0x18100] =	vst v63  }
0x92: {  	s19 =	simm.s32 $0x16900  }
0x93: {  	[tilespmem:s19], [sflag:$0x3] =	stream.indirect_vreg.gather [hbm4b:s9+s3], $0x80, v3, vm0, $0xb8;
	[tilespmem:$0x18100] =	vst v63  }
0x94: {  	s19 =	simm.s32 $0x17100  }
0x95: {  	[tilespmem:s19], [sflag:$0x3] =	stream.indirect_vreg.gather [hbm4b:s10+s3], $0x80, v3, vm0, $0xb8;
	[tilespmem:$0x18100] =	vst v63  }
0x96: {  	s19 =	simm.s32 $0x17900  }
0x97: {  	[tilespmem:s19], [sflag:$0x3] =	stream.indirect_vreg.gather [hbm4b:s11+s3], $0x80, v3, vm0, $0xb8;
	[tilespmem:$0x18100] =	vst v63  }
0x98: {  	_ =	swait.ge [sflag:s4], $0x8000  }
0x99: {  	[sflag:s4] =	ssyncset.done $0x0  }
0x9a: {  	s19 =	simm.s32 $0x8100;
	s18 =	rddreg [dreg:$0x5];
	[sflag:s4] =	ssyncadd.s32 $0xFFFF8000  }
0x9b: {  	[hbm4b:s18+s3] =	stream.linear.scatter [tilespmem:s19], [sflag:$0x5], $0x8000, $0x38;
	[tilespmem:$0x18100] =	vst v63  }
0x9c: {  	_ =	swait.ge [sflag:s0], $0x8000  }
0x9d: {  	[sflag:s0] =	ssyncset.done $0x0  }
0x9e: {  	[sflag:s0] =	ssyncadd.s32 $0xFFFF8000  }
0x9f: {  	v3 =	vld [tilespmem:$0x30];
	_ =	sdelay $0x4  }
0xa0: {  	v51 =	vshll.u32 v3, $0x4  }
0xa1: {  	v3 =	vand.u32 $0x7, v3;
	v4 =	vand.u32 $0xFFFFFF80, v51  }
0xa2: {  	v3 =	vor.u32 v3, v4  }
0xa3: {  	v4 =	vperm.xlane v3, v0;
	_ =	sdelay $0x1  }
0xa4: {  	v4 =	vadd.s32 v1, v4;
	_ =	sdelay $0x4  }
0xa5: {  	[tilespmem:s20], [sflag:$0x1] =	stream.indirect_vreg.gather [hbm4b:s2+s3], $0x80, v4, vm0, $0xb8;
	[tilespmem:$0x18100] =	vst v63  }
0xa6: {  	s30 =	simm.s32 $0x900  }
0xa7: {  	[tilespmem:s30], [sflag:$0x1] =	stream.indirect_vreg.gather [hbm4b:s5+s3], $0x80, v4, vm0, $0xb8;
	[tilespmem:$0x18100] =	vst v63  }
0xa8: {  	s30 =	simm.s32 $0x1100  }
0xa9: {  	[tilespmem:s30], [sflag:$0x1] =	stream.indirect_vreg.gather [hbm4b:s6+s3], $0x80, v4, vm0, $0xb8;
	[tilespmem:$0x18100] =	vst v63  }
0xaa: {  	s30 =	simm.s32 $0x1900  }
0xab: {  	[tilespmem:s30], [sflag:$0x1] =	stream.indirect_vreg.gather [hbm4b:s7+s3], $0x80, v4, vm0, $0xb8;
	[tilespmem:$0x18100] =	vst v63  }
0xac: {  	s1 =	simm.s32 $0x2100  }
0xad: {  	[tilespmem:s1], [sflag:$0x1] =	stream.indirect_vreg.gather [hbm4b:s8+s3], $0x80, v4, vm0, $0xb8;
	[tilespmem:$0x18100] =	vst v63  }
0xae: {  	s22 =	simm.s32 $0x2900;
	v3 =	vperm.xlane v3, v2  }
0xaf: {  	[tilespmem:s22], [sflag:$0x1] =	stream.indirect_vreg.gather [hbm4b:s9+s3], $0x80, v4, vm0, $0xb8;
	[tilespmem:$0x18100] =	vst v63  }
0xb0: {  	s21 =	simm.s32 $0x3100;
	v3 =	vadd.s32 v1, v3  }
0xb1: {  	[tilespmem:s21], [sflag:$0x1] =	stream.indirect_vreg.gather [hbm4b:s10+s3], $0x80, v4, vm0, $0xb8;
	[tilespmem:$0x18100] =	vst v63  }
0xb2: {  	s23 =	simm.s32 $0x3900  }
0xb3: {  	[tilespmem:s23], [sflag:$0x1] =	stream.indirect_vreg.gather [hbm4b:s11+s3], $0x80, v4, vm0, $0xb8;
	[tilespmem:$0x18100] =	vst v63  }
0xb4: {  	s24 =	simm.s32 $0x4100  }
0xb5: {  	[tilespmem:s24], [sflag:$0x1] =	stream.indirect_vreg.gather [hbm4b:s2+s3], $0x80, v3, vm0, $0xb8;
	[tilespmem:$0x18100] =	vst v63  }
0xb6: {  	s25 =	simm.s32 $0x4900  }
0xb7: {  	[tilespmem:s25], [sflag:$0x1] =	stream.indirect_vreg.gather [hbm4b:s5+s3], $0x80, v3, vm0, $0xb8;
	[tilespmem:$0x18100] =	vst v63  }
0xb8: {  	s26 =	simm.s32 $0x5100  }
0xb9: {  	[tilespmem:s26], [sflag:$0x1] =	stream.indirect_vreg.gather [hbm4b:s6+s3], $0x80, v3, vm0, $0xb8;
	[tilespmem:$0x18100] =	vst v63  }
0xba: {  	s28 =	simm.s32 $0x5900  }
0xbb: {  	[tilespmem:s28], [sflag:$0x1] =	stream.indirect_vreg.gather [hbm4b:s7+s3], $0x80, v3, vm0, $0xb8;
	[tilespmem:$0x18100] =	vst v63  }
0xbc: {  	s29 =	simm.s32 $0x6100  }
0xbd: {  	[tilespmem:s29], [sflag:$0x1] =	stream.indirect_vreg.gather [hbm4b:s8+s3], $0x80, v3, vm0, $0xb8;
	[tilespmem:$0x18100] =	vst v63  }
0xbe: {  	s29 =	simm.s32 $0x6900  }
0xbf: {  	[tilespmem:s29], [sflag:$0x1] =	stream.indirect_vreg.gather [hbm4b:s9+s3], $0x80, v3, vm0, $0xb8;
	[tilespmem:$0x18100] =	vst v63  }
0xc0: {  	s30 =	simm.s32 $0x7100  }
0xc1: {  	[tilespmem:s30], [sflag:$0x1] =	stream.indirect_vreg.gather [hbm4b:s10+s3], $0x80, v3, vm0, $0xb8;
	[tilespmem:$0x18100] =	vst v63  }
0xc2: {  	s31 =	simm.s32 $0x7900  }
0xc3: {  	[tilespmem:s31], [sflag:$0x1] =	stream.indirect_vreg.gather [hbm4b:s11+s3], $0x80, v3, vm0, $0xb8;
	[tilespmem:$0x18100] =	vst v63  }
0xc4: {  	_ =	swait.ge [sflag:s15], $0x8000  }
0xc5: {  	[sflag:s15] =	ssyncset.done $0x0  }
0xc6: {  	s14 =	simm.s32 $0x10100;
	s1 =	rddreg [dreg:$0x6];
	[sflag:s15] =	ssyncadd.s32 $0xFFFF8000  }
0xc7: {  	[hbm4b:s1+s3] =	stream.linear.scatter [tilespmem:s14], [sflag:$0x6], $0x8000, $0x38;
	[tilespmem:$0x18100] =	vst v63  }
0xc8: {  	_ =	swait.ge [sflag:s16], $0x8000  }
0xc9: {  	[sflag:s16] =	ssyncset.done $0x0  }
0xca: {  	[sflag:s16] =	ssyncadd.s32 $0xFFFF8000  }
0xcb: {  	v3 =	vld [tilespmem:$0x40];
	_ =	sdelay $0x4  }
0xcc: {  	v52 =	vshll.u32 v3, $0x4  }
0xcd: {  	v3 =	vand.u32 $0x7, v3;
	v4 =	vand.u32 $0xFFFFFF80, v52  }
0xce: {  	v3 =	vor.u32 v3, v4  }
0xcf: {  	v4 =	vperm.xlane v3, v0;
	_ =	sdelay $0x1  }
0xd0: {  	v4 =	vadd.s32 v1, v4;
	_ =	sdelay $0x4  }
0xd1: {  	[tilespmem:s19], [sflag:$0x2] =	stream.indirect_vreg.gather [hbm4b:s2+s3], $0x80, v4, vm0, $0xb8;
	[tilespmem:$0x18100] =	vst v63  }
0xd2: {  	s21 =	simm.s32 $0x8900  }
0xd3: {  	[tilespmem:s21], [sflag:$0x2] =	stream.indirect_vreg.gather [hbm4b:s5+s3], $0x80, v4, vm0, $0xb8;
	[tilespmem:$0x18100] =	vst v63  }
0xd4: {  	s23 =	simm.s32 $0x9100  }
0xd5: {  	[tilespmem:s23], [sflag:$0x2] =	stream.indirect_vreg.gather [hbm4b:s6+s3], $0x80, v4, vm0, $0xb8;
	[tilespmem:$0x18100] =	vst v63  }
0xd6: {  	s24 =	simm.s32 $0x9900  }
0xd7: {  	[tilespmem:s24], [sflag:$0x2] =	stream.indirect_vreg.gather [hbm4b:s7+s3], $0x80, v4, vm0, $0xb8;
	[tilespmem:$0x18100] =	vst v63  }
0xd8: {  	s19 =	simm.s32 $0xA100  }
0xd9: {  	[tilespmem:s19], [sflag:$0x2] =	stream.indirect_vreg.gather [hbm4b:s8+s3], $0x80, v4, vm0, $0xb8;
	[tilespmem:$0x18100] =	vst v63  }
0xda: {  	s12 =	simm.s32 $0xA900;
	v3 =	vperm.xlane v3, v2  }
0xdb: {  	[tilespmem:s12], [sflag:$0x2] =	stream.indirect_vreg.gather [hbm4b:s9+s3], $0x80, v4, vm0, $0xb8;
	[tilespmem:$0x18100] =	vst v63  }
0xdc: {  	s25 =	simm.s32 $0xB100;
	v3 =	vadd.s32 v1, v3  }
0xdd: {  	[tilespmem:s25], [sflag:$0x2] =	stream.indirect_vreg.gather [hbm4b:s10+s3], $0x80, v4, vm0, $0xb8;
	[tilespmem:$0x18100] =	vst v63  }
0xde: {  	s26 =	simm.s32 $0xB900  }
0xdf: {  	[tilespmem:s26], [sflag:$0x2] =	stream.indirect_vreg.gather [hbm4b:s11+s3], $0x80, v4, vm0, $0xb8;
	[tilespmem:$0x18100] =	vst v63  }
0xe0: {  	s28 =	simm.s32 $0xC100  }
0xe1: {  	[tilespmem:s28], [sflag:$0x2] =	stream.indirect_vreg.gather [hbm4b:s2+s3], $0x80, v3, vm0, $0xb8;
	[tilespmem:$0x18100] =	vst v63  }
0xe2: {  	s29 =	simm.s32 $0xC900  }
0xe3: {  	[tilespmem:s29], [sflag:$0x2] =	stream.indirect_vreg.gather [hbm4b:s5+s3], $0x80, v3, vm0, $0xb8;
	[tilespmem:$0x18100] =	vst v63  }
0xe4: {  	s30 =	simm.s32 $0xD100  }
0xe5: {  	[tilespmem:s30], [sflag:$0x2] =	stream.indirect_vreg.gather [hbm4b:s6+s3], $0x80, v3, vm0, $0xb8;
	[tilespmem:$0x18100] =	vst v63  }
0xe6: {  	s31 =	simm.s32 $0xD900  }
0xe7: {  	[tilespmem:s31], [sflag:$0x2] =	stream.indirect_vreg.gather [hbm4b:s7+s3], $0x80, v3, vm0, $0xb8;
	[tilespmem:$0x18100] =	vst v63  }
0xe8: {  	s22 =	simm.s32 $0xE100  }
0xe9: {  	[tilespmem:s22], [sflag:$0x2] =	stream.indirect_vreg.gather [hbm4b:s8+s3], $0x80, v3, vm0, $0xb8;
	[tilespmem:$0x18100] =	vst v63  }
0xea: {  	s18 =	simm.s32 $0xE900  }
0xeb: {  	[tilespmem:s18], [sflag:$0x2] =	stream.indirect_vreg.gather [hbm4b:s9+s3], $0x80, v3, vm0, $0xb8;
	[tilespmem:$0x18100] =	vst v63  }
0xec: {  	s18 =	simm.s32 $0xF100  }
0xed: {  	[tilespmem:s18], [sflag:$0x2] =	stream.indirect_vreg.gather [hbm4b:s10+s3], $0x80, v3, vm0, $0xb8;
	[tilespmem:$0x18100] =	vst v63  }
0xee: {  	s18 =	simm.s32 $0xF900  }
0xef: {  	[tilespmem:s18], [sflag:$0x2] =	stream.indirect_vreg.gather [hbm4b:s11+s3], $0x80, v3, vm0, $0xb8;
	[tilespmem:$0x18100] =	vst v63  }
0xf0: {  	_ =	swait.ge [sflag:s13], $0x8000  }
0xf1: {  	[sflag:s13] =	ssyncset.done $0x0  }
0xf2: {  	s12 =	rddreg [dreg:$0x7];
	[sflag:s13] =	ssyncadd.s32 $0xFFFF8000  }
0xf3: {  	[hbm4b:s12+s3] =	stream.linear.scatter [tilespmem:s20], [sflag:$0x4], $0x8000, $0x38;
	[tilespmem:$0x18100] =	vst v63  }
0xf4: {  	_ =	swait.ge [sflag:s17], $0x8000  }
0xf5: {  	[sflag:s17] =	ssyncset.done $0x0  }
0xf6: {  	[sflag:s17] =	ssyncadd.s32 $0xFFFF8000  }
0xf7: {  	v3 =	vld [tilespmem:$0x50];
	_ =	sdelay $0x4  }
0xf8: {  	v53 =	vshll.u32 v3, $0x4  }
0xf9: {  	v3 =	vand.u32 $0x7, v3;
	v4 =	vand.u32 $0xFFFFFF80, v53  }
0xfa: {  	v3 =	vor.u32 v3, v4  }
0xfb: {  	v4 =	vperm.xlane v3, v0;
	_ =	sdelay $0x1  }
0xfc: {  	v4 =	vadd.s32 v1, v4;
	_ =	sdelay $0x3  }
0xfd: {  	s1 =	simm.s32 $0x10100  }
0xfe: {  	[tilespmem:s1], [sflag:$0x3] =	stream.indirect_vreg.gather [hbm4b:s2+s3], $0x80, v4, vm0, $0xb8;
	[tilespmem:$0x18100] =	vst v63  }
0xff: {  	s18 =	simm.s32 $0x10900  }
0x100: {  	[tilespmem:s18], [sflag:$0x3] =	stream.indirect_vreg.gather [hbm4b:s5+s3], $0x80, v4, vm0, $0xb8;
	[tilespmem:$0x18100] =	vst v63  }
0x101: {  	s18 =	simm.s32 $0x11100  }
0x102: {  	[tilespmem:s18], [sflag:$0x3] =	stream.indirect_vreg.gather [hbm4b:s6+s3], $0x80, v4, vm0, $0xb8;
	[tilespmem:$0x18100] =	vst v63  }
0x103: {  	s18 =	simm.s32 $0x11900  }
0x104: {  	[tilespmem:s18], [sflag:$0x3] =	stream.indirect_vreg.gather [hbm4b:s7+s3], $0x80, v4, vm0, $0xb8;
	[tilespmem:$0x18100] =	vst v63  }
0x105: {  	s18 =	simm.s32 $0x12100  }
0x106: {  	[tilespmem:s18], [sflag:$0x3] =	stream.indirect_vreg.gather [hbm4b:s8+s3], $0x80, v4, vm0, $0xb8;
	[tilespmem:$0x18100] =	vst v63  }
0x107: {  	v3 =	vperm.xlane v3, v2;
	s18 =	simm.s32 $0x12900  }
0x108: {  	[tilespmem:s18], [sflag:$0x3] =	stream.indirect_vreg.gather [hbm4b:s9+s3], $0x80, v4, vm0, $0xb8;
	[tilespmem:$0x18100] =	vst v63  }
0x109: {  	v3 =	vadd.s32 v1, v3;
	s18 =	simm.s32 $0x13100  }
0x10a: {  	[tilespmem:s18], [sflag:$0x3] =	stream.indirect_vreg.gather [hbm4b:s10+s3], $0x80, v4, vm0, $0xb8;
	[tilespmem:$0x18100] =	vst v63  }
0x10b: {  	s18 =	simm.s32 $0x13900  }
0x10c: {  	[tilespmem:s18], [sflag:$0x3] =	stream.indirect_vreg.gather [hbm4b:s11+s3], $0x80, v4, vm0, $0xb8;
	[tilespmem:$0x18100] =	vst v63  }
0x10d: {  	s18 =	simm.s32 $0x14100  }
0x10e: {  	[tilespmem:s18], [sflag:$0x3] =	stream.indirect_vreg.gather [hbm4b:s2+s3], $0x80, v3, vm0, $0xb8;
	[tilespmem:$0x18100] =	vst v63  }
0x10f: {  	s18 =	simm.s32 $0x14900  }
0x110: {  	[tilespmem:s18], [sflag:$0x3] =	stream.indirect_vreg.gather [hbm4b:s5+s3], $0x80, v3, vm0, $0xb8;
	[tilespmem:$0x18100] =	vst v63  }
0x111: {  	s18 =	simm.s32 $0x15100  }
0x112: {  	[tilespmem:s18], [sflag:$0x3] =	stream.indirect_vreg.gather [hbm4b:s6+s3], $0x80, v3, vm0, $0xb8;
	[tilespmem:$0x18100] =	vst v63  }
0x113: {  	s18 =	simm.s32 $0x15900  }
0x114: {  	[tilespmem:s18], [sflag:$0x3] =	stream.indirect_vreg.gather [hbm4b:s7+s3], $0x80, v3, vm0, $0xb8;
	[tilespmem:$0x18100] =	vst v63  }
0x115: {  	s18 =	simm.s32 $0x16100  }
0x116: {  	[tilespmem:s18], [sflag:$0x3] =	stream.indirect_vreg.gather [hbm4b:s8+s3], $0x80, v3, vm0, $0xb8;
	[tilespmem:$0x18100] =	vst v63  }
0x117: {  	s18 =	simm.s32 $0x16900  }
0x118: {  	[tilespmem:s18], [sflag:$0x3] =	stream.indirect_vreg.gather [hbm4b:s9+s3], $0x80, v3, vm0, $0xb8;
	[tilespmem:$0x18100] =	vst v63  }
0x119: {  	s18 =	simm.s32 $0x17100  }
0x11a: {  	[tilespmem:s18], [sflag:$0x3] =	stream.indirect_vreg.gather [hbm4b:s10+s3], $0x80, v3, vm0, $0xb8;
	[tilespmem:$0x18100] =	vst v63  }
0x11b: {  	s18 =	simm.s32 $0x17900  }
0x11c: {  	[tilespmem:s18], [sflag:$0x3] =	stream.indirect_vreg.gather [hbm4b:s11+s3], $0x80, v3, vm0, $0xb8;
	[tilespmem:$0x18100] =	vst v63  }
0x11d: {  	_ =	swait.ge [sflag:s4], $0x8000  }
0x11e: {  	[sflag:s4] =	ssyncset.done $0x0  }
0x11f: {  	s14 =	simm.s32 $0x8100;
	s1 =	rddreg [dreg:$0x8];
	[sflag:s4] =	ssyncadd.s32 $0xFFFF8000  }
0x120: {  	[hbm4b:s1+s3] =	stream.linear.scatter [tilespmem:s14], [sflag:$0x5], $0x8000, $0x38;
	[tilespmem:$0x18100] =	vst v63  }
0x121: {  	_ =	swait.ge [sflag:s0], $0x8000  }
0x122: {  	[sflag:s0] =	ssyncset.done $0x0  }
0x123: {  	[sflag:s0] =	ssyncadd.s32 $0xFFFF8000  }
0x124: {  	v3 =	vld [tilespmem:$0x60];
	_ =	sdelay $0x4  }
0x125: {  	v54 =	vshll.u32 v3, $0x4  }
0x126: {  	v3 =	vand.u32 $0x7, v3;
	v4 =	vand.u32 $0xFFFFFF80, v54  }
0x127: {  	v3 =	vor.u32 v3, v4  }
0x128: {  	v4 =	vperm.xlane v3, v0;
	_ =	sdelay $0x1  }
0x129: {  	v4 =	vadd.s32 v1, v4;
	_ =	sdelay $0x4  }
0x12a: {  	[tilespmem:s20], [sflag:$0x1] =	stream.indirect_vreg.gather [hbm4b:s2+s3], $0x80, v4, vm0, $0xb8;
	[tilespmem:$0x18100] =	vst v63  }
0x12b: {  	s18 =	simm.s32 $0x900  }
0x12c: {  	[tilespmem:s18], [sflag:$0x1] =	stream.indirect_vreg.gather [hbm4b:s5+s3], $0x80, v4, vm0, $0xb8;
	[tilespmem:$0x18100] =	vst v63  }
0x12d: {  	s18 =	simm.s32 $0x1100  }
0x12e: {  	[tilespmem:s18], [sflag:$0x1] =	stream.indirect_vreg.gather [hbm4b:s6+s3], $0x80, v4, vm0, $0xb8;
	[tilespmem:$0x18100] =	vst v63  }
0x12f: {  	s18 =	simm.s32 $0x1900  }
0x130: {  	[tilespmem:s18], [sflag:$0x1] =	stream.indirect_vreg.gather [hbm4b:s7+s3], $0x80, v4, vm0, $0xb8;
	[tilespmem:$0x18100] =	vst v63  }
0x131: {  	s18 =	simm.s32 $0x2100  }
0x132: {  	[tilespmem:s18], [sflag:$0x1] =	stream.indirect_vreg.gather [hbm4b:s8+s3], $0x80, v4, vm0, $0xb8;
	[tilespmem:$0x18100] =	vst v63  }
0x133: {  	v3 =	vperm.xlane v3, v2;
	s18 =	simm.s32 $0x2900  }
0x134: {  	[tilespmem:s18], [sflag:$0x1] =	stream.indirect_vreg.gather [hbm4b:s9+s3], $0x80, v4, vm0, $0xb8;
	[tilespmem:$0x18100] =	vst v63  }
0x135: {  	v3 =	vadd.s32 v1, v3;
	s18 =	simm.s32 $0x3100  }
0x136: {  	[tilespmem:s18], [sflag:$0x1] =	stream.indirect_vreg.gather [hbm4b:s10+s3], $0x80, v4, vm0, $0xb8;
	[tilespmem:$0x18100] =	vst v63  }
0x137: {  	s18 =	simm.s32 $0x3900  }
0x138: {  	[tilespmem:s18], [sflag:$0x1] =	stream.indirect_vreg.gather [hbm4b:s11+s3], $0x80, v4, vm0, $0xb8;
	[tilespmem:$0x18100] =	vst v63  }
0x139: {  	s18 =	simm.s32 $0x4100  }
0x13a: {  	[tilespmem:s18], [sflag:$0x1] =	stream.indirect_vreg.gather [hbm4b:s2+s3], $0x80, v3, vm0, $0xb8;
	[tilespmem:$0x18100] =	vst v63  }
0x13b: {  	s18 =	simm.s32 $0x4900  }
0x13c: {  	[tilespmem:s18], [sflag:$0x1] =	stream.indirect_vreg.gather [hbm4b:s5+s3], $0x80, v3, vm0, $0xb8;
	[tilespmem:$0x18100] =	vst v63  }
0x13d: {  	s18 =	simm.s32 $0x5100  }
0x13e: {  	[tilespmem:s18], [sflag:$0x1] =	stream.indirect_vreg.gather [hbm4b:s6+s3], $0x80, v3, vm0, $0xb8;
	[tilespmem:$0x18100] =	vst v63  }
0x13f: {  	s18 =	simm.s32 $0x5900  }
0x140: {  	[tilespmem:s18], [sflag:$0x1] =	stream.indirect_vreg.gather [hbm4b:s7+s3], $0x80, v3, vm0, $0xb8;
	[tilespmem:$0x18100] =	vst v63  }
0x141: {  	s18 =	simm.s32 $0x6100  }
0x142: {  	[tilespmem:s18], [sflag:$0x1] =	stream.indirect_vreg.gather [hbm4b:s8+s3], $0x80, v3, vm0, $0xb8;
	[tilespmem:$0x18100] =	vst v63  }
0x143: {  	s18 =	simm.s32 $0x6900  }
0x144: {  	[tilespmem:s18], [sflag:$0x1] =	stream.indirect_vreg.gather [hbm4b:s9+s3], $0x80, v3, vm0, $0xb8;
	[tilespmem:$0x18100] =	vst v63  }
0x145: {  	s18 =	simm.s32 $0x7100  }
0x146: {  	[tilespmem:s18], [sflag:$0x1] =	stream.indirect_vreg.gather [hbm4b:s10+s3], $0x80, v3, vm0, $0xb8;
	[tilespmem:$0x18100] =	vst v63  }
0x147: {  	s18 =	simm.s32 $0x7900  }
0x148: {  	[tilespmem:s18], [sflag:$0x1] =	stream.indirect_vreg.gather [hbm4b:s11+s3], $0x80, v3, vm0, $0xb8;
	[tilespmem:$0x18100] =	vst v63  }
0x149: {  	_ =	swait.ge [sflag:s15], $0x8000  }
0x14a: {  	[sflag:s15] =	ssyncset.done $0x0  }
0x14b: {  	s12 =	simm.s32 $0x10100;
	s14 =	rddreg [dreg:$0x9];
	[sflag:s15] =	ssyncadd.s32 $0xFFFF8000  }
0x14c: {  	[hbm4b:s14+s3] =	stream.linear.scatter [tilespmem:s12], [sflag:$0x6], $0x8000, $0x38;
	[tilespmem:$0x18100] =	vst v63  }
0x14d: {  	_ =	swait.ge [sflag:s16], $0x8000  }
0x14e: {  	[sflag:s16] =	ssyncset.done $0x0  }
0x14f: {  	[sflag:s16] =	ssyncadd.s32 $0xFFFF8000  }
0x150: {  	v3 =	vld [tilespmem:$0x70];
	_ =	sdelay $0x4  }
0x151: {  	v55 =	vshll.u32 v3, $0x4  }
0x152: {  	v3 =	vand.u32 $0x7, v3;
	v4 =	vand.u32 $0xFFFFFF80, v55  }
0x153: {  	v3 =	vor.u32 v3, v4  }
0x154: {  	v4 =	vperm.xlane v3, v0;
	_ =	sdelay $0x1  }
0x155: {  	v4 =	vadd.s32 v1, v4;
	_ =	sdelay $0x3  }
0x156: {  	s1 =	simm.s32 $0x8100  }
0x157: {  	[tilespmem:s1], [sflag:$0x2] =	stream.indirect_vreg.gather [hbm4b:s2+s3], $0x80, v4, vm0, $0xb8;
	[tilespmem:$0x18100] =	vst v63  }
0x158: {  	_ = 	snop  }
0x159: {  	[tilespmem:s21], [sflag:$0x2] =	stream.indirect_vreg.gather [hbm4b:s5+s3], $0x80, v4, vm0, $0xb8;
	[tilespmem:$0x18100] =	vst v63  }
0x15a: {  	_ = 	snop  }
0x15b: {  	[tilespmem:s23], [sflag:$0x2] =	stream.indirect_vreg.gather [hbm4b:s6+s3], $0x80, v4, vm0, $0xb8;
	[tilespmem:$0x18100] =	vst v63  }
0x15c: {  	_ = 	snop  }
0x15d: {  	[tilespmem:s24], [sflag:$0x2] =	stream.indirect_vreg.gather [hbm4b:s7+s3], $0x80, v4, vm0, $0xb8;
	[tilespmem:$0x18100] =	vst v63  }
0x15e: {  	_ = 	snop  }
0x15f: {  	[tilespmem:s19], [sflag:$0x2] =	stream.indirect_vreg.gather [hbm4b:s8+s3], $0x80, v4, vm0, $0xb8;
	[tilespmem:$0x18100] =	vst v63  }
0x160: {  	v3 =	vperm.xlane v3, v2;
	s21 =	simm.s32 $0xA900  }
0x161: {  	[tilespmem:s21], [sflag:$0x2] =	stream.indirect_vreg.gather [hbm4b:s9+s3], $0x80, v4, vm0, $0xb8;
	[tilespmem:$0x18100] =	vst v63  }
0x162: {  	v3 =	vadd.s32 v1, v3  }
0x163: {  	[tilespmem:s25], [sflag:$0x2] =	stream.indirect_vreg.gather [hbm4b:s10+s3], $0x80, v4, vm0, $0xb8;
	[tilespmem:$0x18100] =	vst v63  }
0x164: {  	_ = 	snop  }
0x165: {  	[tilespmem:s26], [sflag:$0x2] =	stream.indirect_vreg.gather [hbm4b:s11+s3], $0x80, v4, vm0, $0xb8;
	[tilespmem:$0x18100] =	vst v63  }
0x166: {  	_ = 	snop  }
0x167: {  	[tilespmem:s28], [sflag:$0x2] =	stream.indirect_vreg.gather [hbm4b:s2+s3], $0x80, v3, vm0, $0xb8;
	[tilespmem:$0x18100] =	vst v63  }
0x168: {  	_ = 	snop  }
0x169: {  	[tilespmem:s29], [sflag:$0x2] =	stream.indirect_vreg.gather [hbm4b:s5+s3], $0x80, v3, vm0, $0xb8;
	[tilespmem:$0x18100] =	vst v63  }
0x16a: {  	_ = 	snop  }
0x16b: {  	[tilespmem:s30], [sflag:$0x2] =	stream.indirect_vreg.gather [hbm4b:s6+s3], $0x80, v3, vm0, $0xb8;
	[tilespmem:$0x18100] =	vst v63  }
0x16c: {  	_ = 	snop  }
0x16d: {  	[tilespmem:s31], [sflag:$0x2] =	stream.indirect_vreg.gather [hbm4b:s7+s3], $0x80, v3, vm0, $0xb8;
	[tilespmem:$0x18100] =	vst v63  }
0x16e: {  	_ = 	snop  }
0x16f: {  	[tilespmem:s22], [sflag:$0x2] =	stream.indirect_vreg.gather [hbm4b:s8+s3], $0x80, v3, vm0, $0xb8;
	[tilespmem:$0x18100] =	vst v63  }
0x170: {  	s22 =	simm.s32 $0xE900  }
0x171: {  	[tilespmem:s22], [sflag:$0x2] =	stream.indirect_vreg.gather [hbm4b:s9+s3], $0x80, v3, vm0, $0xb8;
	[tilespmem:$0x18100] =	vst v63  }
0x172: {  	s21 =	simm.s32 $0xF100  }
0x173: {  	[tilespmem:s21], [sflag:$0x2] =	stream.indirect_vreg.gather [hbm4b:s10+s3], $0x80, v3, vm0, $0xb8;
	[tilespmem:$0x18100] =	vst v63  }
0x174: {  	s22 =	simm.s32 $0xF900  }
0x175: {  	[tilespmem:s22], [sflag:$0x2] =	stream.indirect_vreg.gather [hbm4b:s11+s3], $0x80, v3, vm0, $0xb8;
	[tilespmem:$0x18100] =	vst v63  }
0x176: {  	_ =	swait.ge [sflag:s13], $0x8000  }
0x177: {  	[sflag:s13] =	ssyncset.done $0x0  }
0x178: {  	s22 =	rddreg [dreg:$0xa];
	[sflag:s13] =	ssyncadd.s32 $0xFFFF8000  }
0x179: {  	[hbm4b:s22+s3] =	stream.linear.scatter [tilespmem:s20], [sflag:$0x4], $0x8000, $0x38;
	[tilespmem:$0x18100] =	vst v63  }
0x17a: {  	_ =	swait.ge [sflag:s17], $0x8000  }
0x17b: {  	[sflag:s17] =	ssyncset.done $0x0  }
0x17c: {  	[sflag:s17] =	ssyncadd.s32 $0xFFFF8000  }
0x17d: {  	v3 =	vld [tilespmem:$0x80];
	_ =	sdelay $0x4  }
0x17e: {  	v56 =	vshll.u32 v3, $0x4  }
0x17f: {  	v3 =	vand.u32 $0x7, v3;
	v4 =	vand.u32 $0xFFFFFF80, v56  }
0x180: {  	v3 =	vor.u32 v3, v4  }
0x181: {  	v4 =	vperm.xlane v3, v0;
	_ =	sdelay $0x1  }
0x182: {  	v4 =	vadd.s32 v1, v4;
	_ =	sdelay $0x3  }
0x183: {  	s12 =	simm.s32 $0x10100  }
0x184: {  	[tilespmem:s12], [sflag:$0x3] =	stream.indirect_vreg.gather [hbm4b:s2+s3], $0x80, v4, vm0, $0xb8;
	[tilespmem:$0x18100] =	vst v63  }
0x185: {  	s22 =	simm.s32 $0x10900  }
0x186: {  	[tilespmem:s22], [sflag:$0x3] =	stream.indirect_vreg.gather [hbm4b:s5+s3], $0x80, v4, vm0, $0xb8;
	[tilespmem:$0x18100] =	vst v63  }
0x187: {  	s22 =	simm.s32 $0x11100  }
0x188: {  	[tilespmem:s22], [sflag:$0x3] =	stream.indirect_vreg.gather [hbm4b:s6+s3], $0x80, v4, vm0, $0xb8;
	[tilespmem:$0x18100] =	vst v63  }
0x189: {  	s22 =	simm.s32 $0x11900  }
0x18a: {  	[tilespmem:s22], [sflag:$0x3] =	stream.indirect_vreg.gather [hbm4b:s7+s3], $0x80, v4, vm0, $0xb8;
	[tilespmem:$0x18100] =	vst v63  }
0x18b: {  	s22 =	simm.s32 $0x12100  }
0x18c: {  	[tilespmem:s22], [sflag:$0x3] =	stream.indirect_vreg.gather [hbm4b:s8+s3], $0x80, v4, vm0, $0xb8;
	[tilespmem:$0x18100] =	vst v63  }
0x18d: {  	v3 =	vperm.xlane v3, v2;
	s22 =	simm.s32 $0x12900  }
0x18e: {  	[tilespmem:s22], [sflag:$0x3] =	stream.indirect_vreg.gather [hbm4b:s9+s3], $0x80, v4, vm0, $0xb8;
	[tilespmem:$0x18100] =	vst v63  }
0x18f: {  	v3 =	vadd.s32 v1, v3;
	s22 =	simm.s32 $0x13100  }
0x190: {  	[tilespmem:s22], [sflag:$0x3] =	stream.indirect_vreg.gather [hbm4b:s10+s3], $0x80, v4, vm0, $0xb8;
	[tilespmem:$0x18100] =	vst v63  }
0x191: {  	s22 =	simm.s32 $0x13900  }
0x192: {  	[tilespmem:s22], [sflag:$0x3] =	stream.indirect_vreg.gather [hbm4b:s11+s3], $0x80, v4, vm0, $0xb8;
	[tilespmem:$0x18100] =	vst v63  }
0x193: {  	s22 =	simm.s32 $0x14100  }
0x194: {  	[tilespmem:s22], [sflag:$0x3] =	stream.indirect_vreg.gather [hbm4b:s2+s3], $0x80, v3, vm0, $0xb8;
	[tilespmem:$0x18100] =	vst v63  }
0x195: {  	s22 =	simm.s32 $0x14900  }
0x196: {  	[tilespmem:s22], [sflag:$0x3] =	stream.indirect_vreg.gather [hbm4b:s5+s3], $0x80, v3, vm0, $0xb8;
	[tilespmem:$0x18100] =	vst v63  }
0x197: {  	s22 =	simm.s32 $0x15100  }
0x198: {  	[tilespmem:s22], [sflag:$0x3] =	stream.indirect_vreg.gather [hbm4b:s6+s3], $0x80, v3, vm0, $0xb8;
	[tilespmem:$0x18100] =	vst v63  }
0x199: {  	s22 =	simm.s32 $0x15900  }
0x19a: {  	[tilespmem:s22], [sflag:$0x3] =	stream.indirect_vreg.gather [hbm4b:s7+s3], $0x80, v3, vm0, $0xb8;
	[tilespmem:$0x18100] =	vst v63  }
0x19b: {  	s22 =	simm.s32 $0x16100  }
0x19c: {  	[tilespmem:s22], [sflag:$0x3] =	stream.indirect_vreg.gather [hbm4b:s8+s3], $0x80, v3, vm0, $0xb8;
	[tilespmem:$0x18100] =	vst v63  }
0x19d: {  	s22 =	simm.s32 $0x16900  }
0x19e: {  	[tilespmem:s22], [sflag:$0x3] =	stream.indirect_vreg.gather [hbm4b:s9+s3], $0x80, v3, vm0, $0xb8;
	[tilespmem:$0x18100] =	vst v63  }
0x19f: {  	s22 =	simm.s32 $0x17100  }
0x1a0: {  	[tilespmem:s22], [sflag:$0x3] =	stream.indirect_vreg.gather [hbm4b:s10+s3], $0x80, v3, vm0, $0xb8;
	[tilespmem:$0x18100] =	vst v63  }
0x1a1: {  	s22 =	simm.s32 $0x17900  }
0x1a2: {  	[tilespmem:s22], [sflag:$0x3] =	stream.indirect_vreg.gather [hbm4b:s11+s3], $0x80, v3, vm0, $0xb8;
	[tilespmem:$0x18100] =	vst v63  }
0x1a3: {  	_ =	swait.ge [sflag:s4], $0x8000  }
0x1a4: {  	[sflag:s4] =	ssyncset.done $0x0  }
0x1a5: {  	s1 =	simm.s32 $0x8100;
	s22 =	rddreg [dreg:$0xb];
	[sflag:s4] =	ssyncadd.s32 $0xFFFF8000  }
0x1a6: {  	[hbm4b:s22+s3] =	stream.linear.scatter [tilespmem:s1], [sflag:$0x5], $0x8000, $0x38;
	[tilespmem:$0x18100] =	vst v63  }
0x1a7: {  	_ =	swait.ge [sflag:s0], $0x8000  }
0x1a8: {  	[sflag:s0] =	ssyncset.done $0x0  }
0x1a9: {  	[sflag:s0] =	ssyncadd.s32 $0xFFFF8000  }
0x1aa: {  	v3 =	vld [tilespmem:$0x90];
	_ =	sdelay $0x4  }
0x1ab: {  	v57 =	vshll.u32 v3, $0x4  }
0x1ac: {  	v3 =	vand.u32 $0x7, v3;
	v4 =	vand.u32 $0xFFFFFF80, v57  }
0x1ad: {  	v3 =	vor.u32 v3, v4  }
0x1ae: {  	v4 =	vperm.xlane v3, v0;
	_ =	sdelay $0x1  }
0x1af: {  	v4 =	vadd.s32 v1, v4;
	_ =	sdelay $0x4  }
0x1b0: {  	[tilespmem:s20], [sflag:$0x1] =	stream.indirect_vreg.gather [hbm4b:s2+s3], $0x80, v4, vm0, $0xb8;
	[tilespmem:$0x18100] =	vst v63  }
0x1b1: {  	s22 =	simm.s32 $0x900  }
0x1b2: {  	[tilespmem:s22], [sflag:$0x1] =	stream.indirect_vreg.gather [hbm4b:s5+s3], $0x80, v4, vm0, $0xb8;
	[tilespmem:$0x18100] =	vst v63  }
0x1b3: {  	s22 =	simm.s32 $0x1100  }
0x1b4: {  	[tilespmem:s22], [sflag:$0x1] =	stream.indirect_vreg.gather [hbm4b:s6+s3], $0x80, v4, vm0, $0xb8;
	[tilespmem:$0x18100] =	vst v63  }
0x1b5: {  	s22 =	simm.s32 $0x1900  }
0x1b6: {  	[tilespmem:s22], [sflag:$0x1] =	stream.indirect_vreg.gather [hbm4b:s7+s3], $0x80, v4, vm0, $0xb8;
	[tilespmem:$0x18100] =	vst v63  }
0x1b7: {  	s22 =	simm.s32 $0x2100  }
0x1b8: {  	[tilespmem:s22], [sflag:$0x1] =	stream.indirect_vreg.gather [hbm4b:s8+s3], $0x80, v4, vm0, $0xb8;
	[tilespmem:$0x18100] =	vst v63  }
0x1b9: {  	v3 =	vperm.xlane v3, v2;
	s22 =	simm.s32 $0x2900  }
0x1ba: {  	[tilespmem:s22], [sflag:$0x1] =	stream.indirect_vreg.gather [hbm4b:s9+s3], $0x80, v4, vm0, $0xb8;
	[tilespmem:$0x18100] =	vst v63  }
0x1bb: {  	v3 =	vadd.s32 v1, v3;
	s22 =	simm.s32 $0x3100  }
0x1bc: {  	[tilespmem:s22], [sflag:$0x1] =	stream.indirect_vreg.gather [hbm4b:s10+s3], $0x80, v4, vm0, $0xb8;
	[tilespmem:$0x18100] =	vst v63  }
0x1bd: {  	s22 =	simm.s32 $0x3900  }
0x1be: {  	[tilespmem:s22], [sflag:$0x1] =	stream.indirect_vreg.gather [hbm4b:s11+s3], $0x80, v4, vm0, $0xb8;
	[tilespmem:$0x18100] =	vst v63  }
0x1bf: {  	s22 =	simm.s32 $0x4100  }
0x1c0: {  	[tilespmem:s22], [sflag:$0x1] =	stream.indirect_vreg.gather [hbm4b:s2+s3], $0x80, v3, vm0, $0xb8;
	[tilespmem:$0x18100] =	vst v63  }
0x1c1: {  	s22 =	simm.s32 $0x4900  }
0x1c2: {  	[tilespmem:s22], [sflag:$0x1] =	stream.indirect_vreg.gather [hbm4b:s5+s3], $0x80, v3, vm0, $0xb8;
	[tilespmem:$0x18100] =	vst v63  }
0x1c3: {  	s22 =	simm.s32 $0x5100  }
0x1c4: {  	[tilespmem:s22], [sflag:$0x1] =	stream.indirect_vreg.gather [hbm4b:s6+s3], $0x80, v3, vm0, $0xb8;
	[tilespmem:$0x18100] =	vst v63  }
0x1c5: {  	s22 =	simm.s32 $0x5900  }
0x1c6: {  	[tilespmem:s22], [sflag:$0x1] =	stream.indirect_vreg.gather [hbm4b:s7+s3], $0x80, v3, vm0, $0xb8;
	[tilespmem:$0x18100] =	vst v63  }
0x1c7: {  	s22 =	simm.s32 $0x6100  }
0x1c8: {  	[tilespmem:s22], [sflag:$0x1] =	stream.indirect_vreg.gather [hbm4b:s8+s3], $0x80, v3, vm0, $0xb8;
	[tilespmem:$0x18100] =	vst v63  }
0x1c9: {  	s22 =	simm.s32 $0x6900  }
0x1ca: {  	[tilespmem:s22], [sflag:$0x1] =	stream.indirect_vreg.gather [hbm4b:s9+s3], $0x80, v3, vm0, $0xb8;
	[tilespmem:$0x18100] =	vst v63  }
0x1cb: {  	s22 =	simm.s32 $0x7100  }
0x1cc: {  	[tilespmem:s22], [sflag:$0x1] =	stream.indirect_vreg.gather [hbm4b:s10+s3], $0x80, v3, vm0, $0xb8;
	[tilespmem:$0x18100] =	vst v63  }
0x1cd: {  	s22 =	simm.s32 $0x7900  }
0x1ce: {  	[tilespmem:s22], [sflag:$0x1] =	stream.indirect_vreg.gather [hbm4b:s11+s3], $0x80, v3, vm0, $0xb8;
	[tilespmem:$0x18100] =	vst v63  }
0x1cf: {  	_ =	swait.ge [sflag:s15], $0x8000  }
0x1d0: {  	[sflag:s15] =	ssyncset.done $0x0  }
0x1d1: {  	s22 =	rddreg [dreg:$0xc];
	[sflag:s15] =	ssyncadd.s32 $0xFFFF8000  }
0x1d2: {  	[hbm4b:s22+s3] =	stream.linear.scatter [tilespmem:s12], [sflag:$0x6], $0x8000, $0x38;
	[tilespmem:$0x18100] =	vst v63  }
0x1d3: {  	_ =	swait.ge [sflag:s16], $0x8000  }
0x1d4: {  	[sflag:s16] =	ssyncset.done $0x0  }
0x1d5: {  	[sflag:s16] =	ssyncadd.s32 $0xFFFF8000  }
0x1d6: {  	v3 =	vld [tilespmem:$0xA0];
	_ =	sdelay $0x4  }
0x1d7: {  	v58 =	vshll.u32 v3, $0x4  }
0x1d8: {  	v3 =	vand.u32 $0x7, v3;
	v4 =	vand.u32 $0xFFFFFF80, v58  }
0x1d9: {  	v3 =	vor.u32 v3, v4  }
0x1da: {  	v4 =	vperm.xlane v3, v0;
	_ =	sdelay $0x1  }
0x1db: {  	v4 =	vadd.s32 v1, v4;
	_ =	sdelay $0x4  }
0x1dc: {  	[tilespmem:s1], [sflag:$0x2] =	stream.indirect_vreg.gather [hbm4b:s2+s3], $0x80, v4, vm0, $0xb8;
	[tilespmem:$0x18100] =	vst v63  }
0x1dd: {  	s14 =	simm.s32 $0x8900  }
0x1de: {  	[tilespmem:s14], [sflag:$0x2] =	stream.indirect_vreg.gather [hbm4b:s5+s3], $0x80, v4, vm0, $0xb8;
	[tilespmem:$0x18100] =	vst v63  }
0x1df: {  	s23 =	simm.s32 $0x9100  }
0x1e0: {  	[tilespmem:s23], [sflag:$0x2] =	stream.indirect_vreg.gather [hbm4b:s6+s3], $0x80, v4, vm0, $0xb8;
	[tilespmem:$0x18100] =	vst v63  }
0x1e1: {  	s24 =	simm.s32 $0x9900  }
0x1e2: {  	[tilespmem:s24], [sflag:$0x2] =	stream.indirect_vreg.gather [hbm4b:s7+s3], $0x80, v4, vm0, $0xb8;
	[tilespmem:$0x18100] =	vst v63  }
0x1e3: {  	s19 =	simm.s32 $0xA100  }
0x1e4: {  	[tilespmem:s19], [sflag:$0x2] =	stream.indirect_vreg.gather [hbm4b:s8+s3], $0x80, v4, vm0, $0xb8;
	[tilespmem:$0x18100] =	vst v63  }
0x1e5: {  	v3 =	vperm.xlane v3, v2;
	s24 =	simm.s32 $0xA900  }
0x1e6: {  	[tilespmem:s24], [sflag:$0x2] =	stream.indirect_vreg.gather [hbm4b:s9+s3], $0x80, v4, vm0, $0xb8;
	[tilespmem:$0x18100] =	vst v63  }
0x1e7: {  	s25 =	simm.s32 $0xB100;
	v3 =	vadd.s32 v1, v3  }
0x1e8: {  	[tilespmem:s25], [sflag:$0x2] =	stream.indirect_vreg.gather [hbm4b:s10+s3], $0x80, v4, vm0, $0xb8;
	[tilespmem:$0x18100] =	vst v63  }
0x1e9: {  	s26 =	simm.s32 $0xB900  }
0x1ea: {  	[tilespmem:s26], [sflag:$0x2] =	stream.indirect_vreg.gather [hbm4b:s11+s3], $0x80, v4, vm0, $0xb8;
	[tilespmem:$0x18100] =	vst v63  }
0x1eb: {  	s28 =	simm.s32 $0xC100  }
0x1ec: {  	[tilespmem:s28], [sflag:$0x2] =	stream.indirect_vreg.gather [hbm4b:s2+s3], $0x80, v3, vm0, $0xb8;
	[tilespmem:$0x18100] =	vst v63  }
0x1ed: {  	s29 =	simm.s32 $0xC900  }
0x1ee: {  	[tilespmem:s29], [sflag:$0x2] =	stream.indirect_vreg.gather [hbm4b:s5+s3], $0x80, v3, vm0, $0xb8;
	[tilespmem:$0x18100] =	vst v63  }
0x1ef: {  	s30 =	simm.s32 $0xD100  }
0x1f0: {  	[tilespmem:s30], [sflag:$0x2] =	stream.indirect_vreg.gather [hbm4b:s6+s3], $0x80, v3, vm0, $0xb8;
	[tilespmem:$0x18100] =	vst v63  }
0x1f1: {  	s31 =	simm.s32 $0xD900  }
0x1f2: {  	[tilespmem:s31], [sflag:$0x2] =	stream.indirect_vreg.gather [hbm4b:s7+s3], $0x80, v3, vm0, $0xb8;
	[tilespmem:$0x18100] =	vst v63  }
0x1f3: {  	s31 =	simm.s32 $0xE100  }
0x1f4: {  	[tilespmem:s31], [sflag:$0x2] =	stream.indirect_vreg.gather [hbm4b:s8+s3], $0x80, v3, vm0, $0xb8;
	[tilespmem:$0x18100] =	vst v63  }
0x1f5: {  	s18 =	simm.s32 $0xE900  }
0x1f6: {  	[tilespmem:s18], [sflag:$0x2] =	stream.indirect_vreg.gather [hbm4b:s9+s3], $0x80, v3, vm0, $0xb8;
	[tilespmem:$0x18100] =	vst v63  }
0x1f7: {  	s21 =	simm.s32 $0xF100  }
0x1f8: {  	[tilespmem:s21], [sflag:$0x2] =	stream.indirect_vreg.gather [hbm4b:s10+s3], $0x80, v3, vm0, $0xb8;
	[tilespmem:$0x18100] =	vst v63  }
0x1f9: {  	s18 =	simm.s32 $0xF900  }
0x1fa: {  	[tilespmem:s18], [sflag:$0x2] =	stream.indirect_vreg.gather [hbm4b:s11+s3], $0x80, v3, vm0, $0xb8;
	[tilespmem:$0x18100] =	vst v63  }
0x1fb: {  	_ =	swait.ge [sflag:s13], $0x8000  }
0x1fc: {  	[sflag:s13] =	ssyncset.done $0x0  }
0x1fd: {  	s18 =	rddreg [dreg:$0xd];
	[sflag:s13] =	ssyncadd.s32 $0xFFFF8000  }
0x1fe: {  	[hbm4b:s18+s3] =	stream.linear.scatter [tilespmem:s20], [sflag:$0x4], $0x8000, $0x38;
	[tilespmem:$0x18100] =	vst v63  }
0x1ff: {  	_ =	swait.ge [sflag:s17], $0x8000  }
0x200: {  	[sflag:s17] =	ssyncset.done $0x0  }
0x201: {  	[sflag:s17] =	ssyncadd.s32 $0xFFFF8000  }
0x202: {  	v3 =	vld [tilespmem:$0xB0];
	_ =	sdelay $0x4  }
0x203: {  	v59 =	vshll.u32 v3, $0x4  }
0x204: {  	v3 =	vand.u32 $0x7, v3;
	v4 =	vand.u32 $0xFFFFFF80, v59  }
0x205: {  	v3 =	vor.u32 v3, v4  }
0x206: {  	v4 =	vperm.xlane v3, v0;
	_ =	sdelay $0x1  }
0x207: {  	v4 =	vadd.s32 v1, v4;
	_ =	sdelay $0x4  }
0x208: {  	[tilespmem:s12], [sflag:$0x3] =	stream.indirect_vreg.gather [hbm4b:s2+s3], $0x80, v4, vm0, $0xb8;
	[tilespmem:$0x18100] =	vst v63  }
0x209: {  	s18 =	simm.s32 $0x10900  }
0x20a: {  	[tilespmem:s18], [sflag:$0x3] =	stream.indirect_vreg.gather [hbm4b:s5+s3], $0x80, v4, vm0, $0xb8;
	[tilespmem:$0x18100] =	vst v63  }
0x20b: {  	s18 =	simm.s32 $0x11100  }
0x20c: {  	[tilespmem:s18], [sflag:$0x3] =	stream.indirect_vreg.gather [hbm4b:s6+s3], $0x80, v4, vm0, $0xb8;
	[tilespmem:$0x18100] =	vst v63  }
0x20d: {  	s18 =	simm.s32 $0x11900  }
0x20e: {  	[tilespmem:s18], [sflag:$0x3] =	stream.indirect_vreg.gather [hbm4b:s7+s3], $0x80, v4, vm0, $0xb8;
	[tilespmem:$0x18100] =	vst v63  }
0x20f: {  	s18 =	simm.s32 $0x12100  }
0x210: {  	[tilespmem:s18], [sflag:$0x3] =	stream.indirect_vreg.gather [hbm4b:s8+s3], $0x80, v4, vm0, $0xb8;
	[tilespmem:$0x18100] =	vst v63  }
0x211: {  	v3 =	vperm.xlane v3, v2;
	s18 =	simm.s32 $0x12900  }
0x212: {  	[tilespmem:s18], [sflag:$0x3] =	stream.indirect_vreg.gather [hbm4b:s9+s3], $0x80, v4, vm0, $0xb8;
	[tilespmem:$0x18100] =	vst v63  }
0x213: {  	v3 =	vadd.s32 v1, v3;
	s18 =	simm.s32 $0x13100  }
0x214: {  	[tilespmem:s18], [sflag:$0x3] =	stream.indirect_vreg.gather [hbm4b:s10+s3], $0x80, v4, vm0, $0xb8;
	[tilespmem:$0x18100] =	vst v63  }
0x215: {  	s18 =	simm.s32 $0x13900  }
0x216: {  	[tilespmem:s18], [sflag:$0x3] =	stream.indirect_vreg.gather [hbm4b:s11+s3], $0x80, v4, vm0, $0xb8;
	[tilespmem:$0x18100] =	vst v63  }
0x217: {  	s18 =	simm.s32 $0x14100  }
0x218: {  	[tilespmem:s18], [sflag:$0x3] =	stream.indirect_vreg.gather [hbm4b:s2+s3], $0x80, v3, vm0, $0xb8;
	[tilespmem:$0x18100] =	vst v63  }
0x219: {  	s18 =	simm.s32 $0x14900  }
0x21a: {  	[tilespmem:s18], [sflag:$0x3] =	stream.indirect_vreg.gather [hbm4b:s5+s3], $0x80, v3, vm0, $0xb8;
	[tilespmem:$0x18100] =	vst v63  }
0x21b: {  	s18 =	simm.s32 $0x15100  }
0x21c: {  	[tilespmem:s18], [sflag:$0x3] =	stream.indirect_vreg.gather [hbm4b:s6+s3], $0x80, v3, vm0, $0xb8;
	[tilespmem:$0x18100] =	vst v63  }
0x21d: {  	s18 =	simm.s32 $0x15900  }
0x21e: {  	[tilespmem:s18], [sflag:$0x3] =	stream.indirect_vreg.gather [hbm4b:s7+s3], $0x80, v3, vm0, $0xb8;
	[tilespmem:$0x18100] =	vst v63  }
0x21f: {  	s18 =	simm.s32 $0x16100  }
0x220: {  	[tilespmem:s18], [sflag:$0x3] =	stream.indirect_vreg.gather [hbm4b:s8+s3], $0x80, v3, vm0, $0xb8;
	[tilespmem:$0x18100] =	vst v63  }
0x221: {  	s18 =	simm.s32 $0x16900  }
0x222: {  	[tilespmem:s18], [sflag:$0x3] =	stream.indirect_vreg.gather [hbm4b:s9+s3], $0x80, v3, vm0, $0xb8;
	[tilespmem:$0x18100] =	vst v63  }
0x223: {  	s18 =	simm.s32 $0x17100  }
0x224: {  	[tilespmem:s18], [sflag:$0x3] =	stream.indirect_vreg.gather [hbm4b:s10+s3], $0x80, v3, vm0, $0xb8;
	[tilespmem:$0x18100] =	vst v63  }
0x225: {  	s18 =	simm.s32 $0x17900  }
0x226: {  	[tilespmem:s18], [sflag:$0x3] =	stream.indirect_vreg.gather [hbm4b:s11+s3], $0x80, v3, vm0, $0xb8;
	[tilespmem:$0x18100] =	vst v63  }
0x227: {  	_ =	swait.ge [sflag:s4], $0x8000  }
0x228: {  	[sflag:s4] =	ssyncset.done $0x0  }
0x229: {  	s18 =	rddreg [dreg:$0xe];
	[sflag:s4] =	ssyncadd.s32 $0xFFFF8000  }
0x22a: {  	[hbm4b:s18+s3] =	stream.linear.scatter [tilespmem:s1], [sflag:$0x5], $0x8000, $0x38;
	[tilespmem:$0x18100] =	vst v63  }
0x22b: {  	_ =	swait.ge [sflag:s0], $0x8000  }
0x22c: {  	[sflag:s0] =	ssyncset.done $0x0  }
0x22d: {  	[sflag:s0] =	ssyncadd.s32 $0xFFFF8000  }
0x22e: {  	v3 =	vld [tilespmem:$0xC0];
	_ =	sdelay $0x4  }
0x22f: {  	v60 =	vshll.u32 v3, $0x4  }
0x230: {  	v3 =	vand.u32 $0x7, v3;
	v4 =	vand.u32 $0xFFFFFF80, v60  }
0x231: {  	v3 =	vor.u32 v3, v4  }
0x232: {  	v4 =	vperm.xlane v3, v0;
	_ =	sdelay $0x1  }
0x233: {  	v4 =	vadd.s32 v1, v4;
	_ =	sdelay $0x4  }
0x234: {  	[tilespmem:s20], [sflag:$0x1] =	stream.indirect_vreg.gather [hbm4b:s2+s3], $0x80, v4, vm0, $0xb8;
	[tilespmem:$0x18100] =	vst v63  }
0x235: {  	s18 =	simm.s32 $0x900  }
0x236: {  	[tilespmem:s18], [sflag:$0x1] =	stream.indirect_vreg.gather [hbm4b:s5+s3], $0x80, v4, vm0, $0xb8;
	[tilespmem:$0x18100] =	vst v63  }
0x237: {  	s18 =	simm.s32 $0x1100  }
0x238: {  	[tilespmem:s18], [sflag:$0x1] =	stream.indirect_vreg.gather [hbm4b:s6+s3], $0x80, v4, vm0, $0xb8;
	[tilespmem:$0x18100] =	vst v63  }
0x239: {  	s18 =	simm.s32 $0x1900  }
0x23a: {  	[tilespmem:s18], [sflag:$0x1] =	stream.indirect_vreg.gather [hbm4b:s7+s3], $0x80, v4, vm0, $0xb8;
	[tilespmem:$0x18100] =	vst v63  }
0x23b: {  	s18 =	simm.s32 $0x2100  }
0x23c: {  	[tilespmem:s18], [sflag:$0x1] =	stream.indirect_vreg.gather [hbm4b:s8+s3], $0x80, v4, vm0, $0xb8;
	[tilespmem:$0x18100] =	vst v63  }
0x23d: {  	v3 =	vperm.xlane v3, v2;
	s18 =	simm.s32 $0x2900  }
0x23e: {  	[tilespmem:s18], [sflag:$0x1] =	stream.indirect_vreg.gather [hbm4b:s9+s3], $0x80, v4, vm0, $0xb8;
	[tilespmem:$0x18100] =	vst v63  }
0x23f: {  	v3 =	vadd.s32 v1, v3;
	s18 =	simm.s32 $0x3100  }
0x240: {  	[tilespmem:s18], [sflag:$0x1] =	stream.indirect_vreg.gather [hbm4b:s10+s3], $0x80, v4, vm0, $0xb8;
	[tilespmem:$0x18100] =	vst v63  }
0x241: {  	s18 =	simm.s32 $0x3900  }
0x242: {  	[tilespmem:s18], [sflag:$0x1] =	stream.indirect_vreg.gather [hbm4b:s11+s3], $0x80, v4, vm0, $0xb8;
	[tilespmem:$0x18100] =	vst v63  }
0x243: {  	s18 =	simm.s32 $0x4100  }
0x244: {  	[tilespmem:s18], [sflag:$0x1] =	stream.indirect_vreg.gather [hbm4b:s2+s3], $0x80, v3, vm0, $0xb8;
	[tilespmem:$0x18100] =	vst v63  }
0x245: {  	s18 =	simm.s32 $0x4900  }
0x246: {  	[tilespmem:s18], [sflag:$0x1] =	stream.indirect_vreg.gather [hbm4b:s5+s3], $0x80, v3, vm0, $0xb8;
	[tilespmem:$0x18100] =	vst v63  }
0x247: {  	s18 =	simm.s32 $0x5100  }
0x248: {  	[tilespmem:s18], [sflag:$0x1] =	stream.indirect_vreg.gather [hbm4b:s6+s3], $0x80, v3, vm0, $0xb8;
	[tilespmem:$0x18100] =	vst v63  }
0x249: {  	s18 =	simm.s32 $0x5900  }
0x24a: {  	[tilespmem:s18], [sflag:$0x1] =	stream.indirect_vreg.gather [hbm4b:s7+s3], $0x80, v3, vm0, $0xb8;
	[tilespmem:$0x18100] =	vst v63  }
0x24b: {  	s18 =	simm.s32 $0x6100  }
0x24c: {  	[tilespmem:s18], [sflag:$0x1] =	stream.indirect_vreg.gather [hbm4b:s8+s3], $0x80, v3, vm0, $0xb8;
	[tilespmem:$0x18100] =	vst v63  }
0x24d: {  	s18 =	simm.s32 $0x6900  }
0x24e: {  	[tilespmem:s18], [sflag:$0x1] =	stream.indirect_vreg.gather [hbm4b:s9+s3], $0x80, v3, vm0, $0xb8;
	[tilespmem:$0x18100] =	vst v63  }
0x24f: {  	s18 =	simm.s32 $0x7100  }
0x250: {  	[tilespmem:s18], [sflag:$0x1] =	stream.indirect_vreg.gather [hbm4b:s10+s3], $0x80, v3, vm0, $0xb8;
	[tilespmem:$0x18100] =	vst v63  }
0x251: {  	s18 =	simm.s32 $0x7900  }
0x252: {  	[tilespmem:s18], [sflag:$0x1] =	stream.indirect_vreg.gather [hbm4b:s11+s3], $0x80, v3, vm0, $0xb8;
	[tilespmem:$0x18100] =	vst v63  }
0x253: {  	_ =	swait.ge [sflag:s15], $0x8000  }
0x254: {  	[sflag:s15] =	ssyncset.done $0x0  }
0x255: {  	s18 =	rddreg [dreg:$0xf];
	[sflag:s15] =	ssyncadd.s32 $0xFFFF8000  }
0x256: {  	[hbm4b:s18+s3] =	stream.linear.scatter [tilespmem:s12], [sflag:$0x6], $0x8000, $0x38;
	[tilespmem:$0x18100] =	vst v63  }
0x257: {  	_ =	swait.ge [sflag:s16], $0x8000  }
0x258: {  	[sflag:s16] =	ssyncset.done $0x0  }
0x259: {  	[sflag:s16] =	ssyncadd.s32 $0xFFFF8000  }
0x25a: {  	v3 =	vld [tilespmem:$0xD0];
	_ =	sdelay $0x4  }
0x25b: {  	v61 =	vshll.u32 v3, $0x4  }
0x25c: {  	v3 =	vand.u32 $0x7, v3;
	v4 =	vand.u32 $0xFFFFFF80, v61  }
0x25d: {  	v3 =	vor.u32 v3, v4  }
0x25e: {  	v4 =	vperm.xlane v3, v0;
	_ =	sdelay $0x1  }
0x25f: {  	v4 =	vadd.s32 v1, v4;
	_ =	sdelay $0x4  }
0x260: {  	[tilespmem:s1], [sflag:$0x2] =	stream.indirect_vreg.gather [hbm4b:s2+s3], $0x80, v4, vm0, $0xb8;
	[tilespmem:$0x18100] =	vst v63  }
0x261: {  	s14 =	simm.s32 $0x8900  }
0x262: {  	[tilespmem:s14], [sflag:$0x2] =	stream.indirect_vreg.gather [hbm4b:s5+s3], $0x80, v4, vm0, $0xb8;
	[tilespmem:$0x18100] =	vst v63  }
0x263: {  	s22 =	simm.s32 $0x9100  }
0x264: {  	[tilespmem:s22], [sflag:$0x2] =	stream.indirect_vreg.gather [hbm4b:s6+s3], $0x80, v4, vm0, $0xb8;
	[tilespmem:$0x18100] =	vst v63  }
0x265: {  	s23 =	simm.s32 $0x9900  }
0x266: {  	[tilespmem:s23], [sflag:$0x2] =	stream.indirect_vreg.gather [hbm4b:s7+s3], $0x80, v4, vm0, $0xb8;
	[tilespmem:$0x18100] =	vst v63  }
0x267: {  	s19 =	simm.s32 $0xA100  }
0x268: {  	[tilespmem:s19], [sflag:$0x2] =	stream.indirect_vreg.gather [hbm4b:s8+s3], $0x80, v4, vm0, $0xb8;
	[tilespmem:$0x18100] =	vst v63  }
0x269: {  	v3 =	vperm.xlane v3, v2;
	s23 =	simm.s32 $0xA900  }
0x26a: {  	[tilespmem:s23], [sflag:$0x2] =	stream.indirect_vreg.gather [hbm4b:s9+s3], $0x80, v4, vm0, $0xb8;
	[tilespmem:$0x18100] =	vst v63  }
0x26b: {  	s24 =	simm.s32 $0xB100;
	v3 =	vadd.s32 v1, v3  }
0x26c: {  	[tilespmem:s24], [sflag:$0x2] =	stream.indirect_vreg.gather [hbm4b:s10+s3], $0x80, v4, vm0, $0xb8;
	[tilespmem:$0x18100] =	vst v63  }
0x26d: {  	s25 =	simm.s32 $0xB900  }
0x26e: {  	[tilespmem:s25], [sflag:$0x2] =	stream.indirect_vreg.gather [hbm4b:s11+s3], $0x80, v4, vm0, $0xb8;
	[tilespmem:$0x18100] =	vst v63  }
0x26f: {  	s26 =	simm.s32 $0xC100  }
0x270: {  	[tilespmem:s26], [sflag:$0x2] =	stream.indirect_vreg.gather [hbm4b:s2+s3], $0x80, v3, vm0, $0xb8;
	[tilespmem:$0x18100] =	vst v63  }
0x271: {  	s28 =	simm.s32 $0xC900  }
0x272: {  	[tilespmem:s28], [sflag:$0x2] =	stream.indirect_vreg.gather [hbm4b:s5+s3], $0x80, v3, vm0, $0xb8;
	[tilespmem:$0x18100] =	vst v63  }
0x273: {  	s29 =	simm.s32 $0xD100  }
0x274: {  	[tilespmem:s29], [sflag:$0x2] =	stream.indirect_vreg.gather [hbm4b:s6+s3], $0x80, v3, vm0, $0xb8;
	[tilespmem:$0x18100] =	vst v63  }
0x275: {  	s30 =	simm.s32 $0xD900  }
0x276: {  	[tilespmem:s30], [sflag:$0x2] =	stream.indirect_vreg.gather [hbm4b:s7+s3], $0x80, v3, vm0, $0xb8;
	[tilespmem:$0x18100] =	vst v63  }
0x277: {  	s31 =	simm.s32 $0xE100  }
0x278: {  	[tilespmem:s31], [sflag:$0x2] =	stream.indirect_vreg.gather [hbm4b:s8+s3], $0x80, v3, vm0, $0xb8;
	[tilespmem:$0x18100] =	vst v63  }
0x279: {  	s18 =	simm.s32 $0xE900  }
0x27a: {  	[tilespmem:s18], [sflag:$0x2] =	stream.indirect_vreg.gather [hbm4b:s9+s3], $0x80, v3, vm0, $0xb8;
	[tilespmem:$0x18100] =	vst v63  }
0x27b: {  	s21 =	simm.s32 $0xF100  }
0x27c: {  	[tilespmem:s21], [sflag:$0x2] =	stream.indirect_vreg.gather [hbm4b:s10+s3], $0x80, v3, vm0, $0xb8;
	[tilespmem:$0x18100] =	vst v63  }
0x27d: {  	s19 =	simm.s32 $0xF900  }
0x27e: {  	[tilespmem:s19], [sflag:$0x2] =	stream.indirect_vreg.gather [hbm4b:s11+s3], $0x80, v3, vm0, $0xb8;
	[tilespmem:$0x18100] =	vst v63  }
0x27f: {  	_ =	swait.ge [sflag:s13], $0x8000  }
0x280: {  	[sflag:s13] =	ssyncset.done $0x0  }
0x281: {  	s21 =	rddreg [dreg:$0x10];
	[sflag:s13] =	ssyncadd.s32 $0xFFFF8000  }
0x282: {  	[hbm4b:s21+s3] =	stream.linear.scatter [tilespmem:s20], [sflag:$0x4], $0x8000, $0x38;
	[tilespmem:$0x18100] =	vst v63  }
0x283: {  	_ =	swait.ge [sflag:s17], $0x8000  }
0x284: {  	[sflag:s17] =	ssyncset.done $0x0  }
0x285: {  	[sflag:s17] =	ssyncadd.s32 $0xFFFF8000  }
0x286: {  	v3 =	vld [tilespmem:$0xE0];
	_ =	sdelay $0x4  }
0x287: {  	v62 =	vshll.u32 v3, $0x4  }
0x288: {  	v3 =	vand.u32 $0x7, v3;
	v4 =	vand.u32 $0xFFFFFF80, v62  }
0x289: {  	v3 =	vor.u32 v3, v4  }
0x28a: {  	v4 =	vperm.xlane v3, v0;
	_ =	sdelay $0x1  }
0x28b: {  	v4 =	vadd.s32 v1, v4;
	_ =	sdelay $0x4  }
0x28c: {  	[tilespmem:s12], [sflag:$0x3] =	stream.indirect_vreg.gather [hbm4b:s2+s3], $0x80, v4, vm0, $0xb8;
	[tilespmem:$0x18100] =	vst v63  }
0x28d: {  	s22 =	simm.s32 $0x10900  }
0x28e: {  	[tilespmem:s22], [sflag:$0x3] =	stream.indirect_vreg.gather [hbm4b:s5+s3], $0x80, v4, vm0, $0xb8;
	[tilespmem:$0x18100] =	vst v63  }
0x28f: {  	s23 =	simm.s32 $0x11100  }
0x290: {  	[tilespmem:s23], [sflag:$0x3] =	stream.indirect_vreg.gather [hbm4b:s6+s3], $0x80, v4, vm0, $0xb8;
	[tilespmem:$0x18100] =	vst v63  }
0x291: {  	s24 =	simm.s32 $0x11900  }
0x292: {  	[tilespmem:s24], [sflag:$0x3] =	stream.indirect_vreg.gather [hbm4b:s7+s3], $0x80, v4, vm0, $0xb8;
	[tilespmem:$0x18100] =	vst v63  }
0x293: {  	s25 =	simm.s32 $0x12100  }
0x294: {  	[tilespmem:s25], [sflag:$0x3] =	stream.indirect_vreg.gather [hbm4b:s8+s3], $0x80, v4, vm0, $0xb8;
	[tilespmem:$0x18100] =	vst v63  }
0x295: {  	s26 =	simm.s32 $0x12900;
	v3 =	vperm.xlane v3, v2  }
0x296: {  	[tilespmem:s26], [sflag:$0x3] =	stream.indirect_vreg.gather [hbm4b:s9+s3], $0x80, v4, vm0, $0xb8;
	[tilespmem:$0x18100] =	vst v63  }
0x297: {  	s28 =	simm.s32 $0x13100;
	v3 =	vadd.s32 v1, v3  }
0x298: {  	[tilespmem:s28], [sflag:$0x3] =	stream.indirect_vreg.gather [hbm4b:s10+s3], $0x80, v4, vm0, $0xb8;
	[tilespmem:$0x18100] =	vst v63  }
0x299: {  	s29 =	simm.s32 $0x13900  }
0x29a: {  	[tilespmem:s29], [sflag:$0x3] =	stream.indirect_vreg.gather [hbm4b:s11+s3], $0x80, v4, vm0, $0xb8;
	[tilespmem:$0x18100] =	vst v63  }
0x29b: {  	s30 =	simm.s32 $0x14100  }
0x29c: {  	[tilespmem:s30], [sflag:$0x3] =	stream.indirect_vreg.gather [hbm4b:s2+s3], $0x80, v3, vm0, $0xb8;
	[tilespmem:$0x18100] =	vst v63  }
0x29d: {  	s31 =	simm.s32 $0x14900  }
0x29e: {  	[tilespmem:s31], [sflag:$0x3] =	stream.indirect_vreg.gather [hbm4b:s5+s3], $0x80, v3, vm0, $0xb8;
	[tilespmem:$0x18100] =	vst v63  }
0x29f: {  	s18 =	simm.s32 $0x15100  }
0x2a0: {  	[tilespmem:s18], [sflag:$0x3] =	stream.indirect_vreg.gather [hbm4b:s6+s3], $0x80, v3, vm0, $0xb8;
	[tilespmem:$0x18100] =	vst v63  }
0x2a1: {  	s19 =	simm.s32 $0x15900  }
0x2a2: {  	[tilespmem:s19], [sflag:$0x3] =	stream.indirect_vreg.gather [hbm4b:s7+s3], $0x80, v3, vm0, $0xb8;
	[tilespmem:$0x18100] =	vst v63  }
0x2a3: {  	s21 =	simm.s32 $0x16100  }
0x2a4: {  	[tilespmem:s21], [sflag:$0x3] =	stream.indirect_vreg.gather [hbm4b:s8+s3], $0x80, v3, vm0, $0xb8;
	[tilespmem:$0x18100] =	vst v63  }
0x2a5: {  	s22 =	simm.s32 $0x16900  }
0x2a6: {  	[tilespmem:s22], [sflag:$0x3] =	stream.indirect_vreg.gather [hbm4b:s9+s3], $0x80, v3, vm0, $0xb8;
	[tilespmem:$0x18100] =	vst v63  }
0x2a7: {  	s23 =	simm.s32 $0x17100  }
0x2a8: {  	[tilespmem:s23], [sflag:$0x3] =	stream.indirect_vreg.gather [hbm4b:s10+s3], $0x80, v3, vm0, $0xb8;
	[tilespmem:$0x18100] =	vst v63  }
0x2a9: {  	s24 =	simm.s32 $0x17900  }
0x2aa: {  	[tilespmem:s24], [sflag:$0x3] =	stream.indirect_vreg.gather [hbm4b:s11+s3], $0x80, v3, vm0, $0xb8;
	[tilespmem:$0x18100] =	vst v63  }
0x2ab: {  	_ =	swait.ge [sflag:s4], $0x8000  }
0x2ac: {  	[sflag:s4] =	ssyncset.done $0x0  }
0x2ad: {  	s25 =	rddreg [dreg:$0x11];
	[sflag:s4] =	ssyncadd.s32 $0xFFFF8000  }
0x2ae: {  	[hbm4b:s25+s3] =	stream.linear.scatter [tilespmem:s1], [sflag:$0x5], $0x8000, $0x38;
	[tilespmem:$0x18100] =	vst v63  }
0x2af: {  	s1 =	rddreg [dreg:$0x17];
	_ =	swait.ge [sflag:s0], $0x8000  }
0x2b0: {  	[sflag:s0] =	ssyncset.done $0x0  }
0x2b1: {  	[sflag:s0] =	ssyncadd.s32 $0xFFFF8000  }
0x2b2: {  	v3 =	vld [tilespmem:$0xF0];
	_ =	sdelay $0x4  }
0x2b3: {  	v63 =	vshll.u32 v3, $0x4  }
0x2b4: {  	v3 =	vand.u32 $0x7, v3;
	v4 =	vand.u32 $0xFFFFFF80, v63  }
0x2b5: {  	v3 =	vor.u32 v3, v4  }
0x2b6: {  	v4 =	vperm.xlane v3, v0;
	_ =	sdelay $0x1  }
0x2b7: {  	v4 =	vadd.s32 v1, v4;
	_ =	sdelay $0x4  }
0x2b8: {  	[tilespmem:s20], [sflag:$0x1] =	stream.indirect_vreg.gather [hbm4b:s2+s3], $0x80, v4, vm0, $0xb8;
	[tilespmem:$0x18100] =	vst v63  }
0x2b9: {  	s26 =	simm.s32 $0x900  }
0x2ba: {  	[tilespmem:s26], [sflag:$0x1] =	stream.indirect_vreg.gather [hbm4b:s5+s3], $0x80, v4, vm0, $0xb8;
	[tilespmem:$0x18100] =	vst v63  }
0x2bb: {  	s28 =	simm.s32 $0x1100  }
0x2bc: {  	[tilespmem:s28], [sflag:$0x1] =	stream.indirect_vreg.gather [hbm4b:s6+s3], $0x80, v4, vm0, $0xb8;
	[tilespmem:$0x18100] =	vst v63  }
0x2bd: {  	s29 =	simm.s32 $0x1900  }
0x2be: {  	[tilespmem:s29], [sflag:$0x1] =	stream.indirect_vreg.gather [hbm4b:s7+s3], $0x80, v4, vm0, $0xb8;
	[tilespmem:$0x18100] =	vst v63  }
0x2bf: {  	s30 =	simm.s32 $0x2100  }
0x2c0: {  	[tilespmem:s30], [sflag:$0x1] =	stream.indirect_vreg.gather [hbm4b:s8+s3], $0x80, v4, vm0, $0xb8;
	[tilespmem:$0x18100] =	vst v63  }
0x2c1: {  	s31 =	simm.s32 $0x2900;
	v3 =	vperm.xlane v3, v2  }
0x2c2: {  	[tilespmem:s31], [sflag:$0x1] =	stream.indirect_vreg.gather [hbm4b:s9+s3], $0x80, v4, vm0, $0xb8;
	[tilespmem:$0x18100] =	vst v63  }
0x2c3: {  	s18 =	simm.s32 $0x3100;
	v3 =	vadd.s32 v1, v3  }
0x2c4: {  	[tilespmem:s18], [sflag:$0x1] =	stream.indirect_vreg.gather [hbm4b:s10+s3], $0x80, v4, vm0, $0xb8;
	[tilespmem:$0x18100] =	vst v63  }
0x2c5: {  	s19 =	simm.s32 $0x3900  }
0x2c6: {  	[tilespmem:s19], [sflag:$0x1] =	stream.indirect_vreg.gather [hbm4b:s11+s3], $0x80, v4, vm0, $0xb8;
	[tilespmem:$0x18100] =	vst v63  }
0x2c7: {  	s21 =	simm.s32 $0x4100  }
0x2c8: {  	[tilespmem:s21], [sflag:$0x1] =	stream.indirect_vreg.gather [hbm4b:s2+s3], $0x80, v3, vm0, $0xb8;
	[tilespmem:$0x18100] =	vst v63  }
0x2c9: {  	s22 =	simm.s32 $0x4900  }
0x2ca: {  	[tilespmem:s22], [sflag:$0x1] =	stream.indirect_vreg.gather [hbm4b:s5+s3], $0x80, v3, vm0, $0xb8;
	[tilespmem:$0x18100] =	vst v63  }
0x2cb: {  	s23 =	simm.s32 $0x5100  }
0x2cc: {  	[tilespmem:s23], [sflag:$0x1] =	stream.indirect_vreg.gather [hbm4b:s6+s3], $0x80, v3, vm0, $0xb8;
	[tilespmem:$0x18100] =	vst v63  }
0x2cd: {  	s24 =	simm.s32 $0x5900  }
0x2ce: {  	[tilespmem:s24], [sflag:$0x1] =	stream.indirect_vreg.gather [hbm4b:s7+s3], $0x80, v3, vm0, $0xb8;
	[tilespmem:$0x18100] =	vst v63  }
0x2cf: {  	s25 =	simm.s32 $0x6100  }
0x2d0: {  	[tilespmem:s25], [sflag:$0x1] =	stream.indirect_vreg.gather [hbm4b:s8+s3], $0x80, v3, vm0, $0xb8;
	[tilespmem:$0x18100] =	vst v63  }
0x2d1: {  	s26 =	simm.s32 $0x6900  }
0x2d2: {  	[tilespmem:s26], [sflag:$0x1] =	stream.indirect_vreg.gather [hbm4b:s9+s3], $0x80, v3, vm0, $0xb8;
	[tilespmem:$0x18100] =	vst v63  }
0x2d3: {  	s28 =	simm.s32 $0x7100  }
0x2d4: {  	[tilespmem:s28], [sflag:$0x1] =	stream.indirect_vreg.gather [hbm4b:s10+s3], $0x80, v3, vm0, $0xb8;
	[tilespmem:$0x18100] =	vst v63  }
0x2d5: {  	s29 =	simm.s32 $0x7900  }
0x2d6: {  	[tilespmem:s29], [sflag:$0x1] =	stream.indirect_vreg.gather [hbm4b:s11+s3], $0x80, v3, vm0, $0xb8;
	[tilespmem:$0x18100] =	vst v63  }
0x2d7: {  	_ =	swait.ge [sflag:s15], $0x8000  }
0x2d8: {  	[sflag:s15] =	ssyncset.done $0x0  }
0x2d9: {  	s30 =	rddreg [dreg:$0x12];
	[sflag:s15] =	ssyncadd.s32 $0xFFFF8000  }
0x2da: {  	[hbm4b:s30+s3] =	stream.linear.scatter [tilespmem:s12], [sflag:$0x6], $0x8000, $0x38;
	[tilespmem:$0x18100] =	vst v63  }
0x2db: {  	_ =	swait.ge [sflag:s13], $0x8000  }
0x2dc: {  	[sflag:s13] =	ssyncset.done $0x0  }
0x2dd: {  	s31 =	rddreg [dreg:$0x13];
	[sflag:s13] =	ssyncadd.s32 $0xFFFF8000  }
0x2de: {  	[hbm4b:s31+s3] =	stream.linear.scatter [tilespmem:s20], [sflag:$0x4], $0x8000, $0x38;
	[tilespmem:$0x18100] =	vst v63  }
0x2df: {  	_ =	swait.ge [sflag:s16], $0x8000  }
0x2e0: {  	[sflag:s16] =	ssyncset.done $0x0  }
0x2e1: {  	[sflag:s16] =	ssyncadd.s32 $0xFFFF8000  }
0x2e2: {  	p0 =	sne.s32 s1, $0x1;
	_ =	swait.ge [sflag:s17], $0x8000  }
.Ltmp0:
0x2e3: {  	[sflag:s17] =	ssyncset.done $0x0;
	(pc) =	sbr.rel @p0 .LBB2_1-.Ltmp0, $4  }
0x2e4: {  	[sflag:s17] =	ssyncadd.s32 $0xFFFF8000  }
0x2e5: {  	_ =	swait.ge [sflag:s0], $0x8000  }
0x2e6: {  	[sflag:s0] =	ssyncset.done $0x0  }
0x2e7: {  	s1 =	sadd.s32 $0xFFFFFFFF, s1;
	[sflag:s0] =	ssyncadd.s32 $0xFFFF8000  }
0x2e8: {  	_ =	sfence.sel $0x180000  }
0x2e9: {  	[bflag:$0x0] =	sbarrier.arrive $0xFFFF  }
0x2ea: {  	_ =	strace $0x90000047  }
0x2eb: {  	s0 =	stileid.u32;
	[bflag:$0x2] =	sbarrier.arrive $0xFFFF  }
0x2ec: {  	p0 =	sne.s32 s0, $0x0;
	s0 =	rddreg [dreg:$0x3]  }
0x2ed: {  	s0 =	sadd.s32 @!p0 $0x100000, s0  }
0x2ee: {  	[sflag:s0] =	ssyncadd.tile.s32 @!p0 $0x1;
	_ =	shalt  }
.Lfunc_end2:
_tile_overlayer_lowered:
.L_overlay_start_2:
0x2ef: {  	(tag) =	ssettag $0x2  }
0x2f0: {  	s0 =	rddreg [dreg:$0x0];
	s2 =	stileid.u32  }
0x2f1: {  	s1 =	rddreg [dreg:$0x1];
	p0 =	sne.s32 s2, $0x0  }
0x2f2: {  	s3 =	rddreg [dreg:$0x2];
	[bflag:$0x3] =	sbarrier.arrive $0xFFFF;
	s2 =	simm.s32 @!p0 $0x1C07  }
0x2f3: {  	[timem:s3], [sflag:s2] =	dma.local @!p0 [hbm:s0], s1  }
0x2f4: {  	s0 =	simm.s32 @!p0 $0x7  }
0x2f5: {  	_ =	swait.ge @!p0 [sflag:s0], s1  }
0x2f6: {  	s1 =	ssub.s32 @!p0 $0x0, s1;
	[sflag:s0] =	ssyncset.done @!p0 $0x0  }
0x2f7: {  	[sflag:s0] =	ssyncadd.s32 @!p0 s1  }
0x2f8: {  	[bflag:$0x3] =	sbarrier.arrive $0xFFFF  }
0x2f9: {  	_ =	shalt  }

</sc_bundles>
